<compile_context>
chip_gen: v7x
topology: tpu7x:2x2x1
jax: 0.10.2.dev20260603
libtpu: 0.0.44.dev20260713+nightly
codegen_flags: <defaults>
</compile_context>

<pallas_src>
import jax
import jax.numpy as jnp
from jax import lax
from jax.experimental import pallas as pl
from jax.experimental.pallas import tpu as pltpu
from jax.experimental.pallas import tpu_sc as plsc

NC = 2
NS = 16
NW = NC * NS

L = 16
D = 128
NV = 10000
NE = 320000
VPAD = 10240

TE = NE // NW
ECHUNK = 80
EG = ECHUNK // L
ENCHUNKS = TE // ECHUNK
EWORDS = ECHUNK * D

VG_MAX = 20
VROWS_MAX = VG_MAX * L


def _body(Vf_hbm, Ef_hbm, nWf_hbm, eWf_hbm, voutf_hbm, eoutf_hbm,
          node_f, edge_f, w2_f, vidx_f, eidx_f, out_f,
          sem_vin, sem_ein, sem_o0, sem_o1):
    cid = lax.axis_index("c")
    sid = lax.axis_index("s")
    wid = sid * NC + cid
    iota = lax.iota(jnp.int32, L)

    ebase = wid * TE
    vgstart = wid * 19 + jnp.minimum(wid, 17)
    vgn = jnp.where(wid < 17, VG_MAX, VG_MAX - 1)
    vbase = vgstart * L

    vin = pltpu.async_copy(Vf_hbm.at[pl.ds(vbase * 4, VROWS_MAX * 4)],
                           vidx_f, sem_vin)
    ein = pltpu.async_copy(Ef_hbm.at[pl.ds(ebase * 4, TE * 4)],
                           eidx_f, sem_ein)
    pltpu.sync_copy(nWf_hbm, node_f)
    pltpu.sync_copy(eWf_hbm, edge_f)

    def build_pg(pg, carry):
        pvec = pg * L + iota
        a = (pvec >> 4) << 7
        b = (pvec & 15) << 7
        w = pvec << 7

        @plsc.parallel_loop(0, D, unroll=8)
        def _cols(c):
            va = plsc.load_gather(edge_f, [a + c])
            vb = plsc.load_gather(edge_f, [b + c])
            plsc.store_scatter(w2_f, [w + c], va + vb)
        return carry
    lax.fori_loop(0, 16, build_pg, 0)

    vin.wait()
    ein.wait()

    VW = L * D

    def wait_o0(nwords):
        pltpu.make_async_copy(out_f.at[pl.ds(0, nwords)],
                              eoutf_hbm.at[pl.ds(0, nwords)], sem_o0).wait()

    def wait_o1(nwords):
        pltpu.make_async_copy(out_f.at[pl.ds(0, nwords)],
                              eoutf_hbm.at[pl.ds(0, nwords)], sem_o1).wait()

    def vchunk(g, carry):
        b = g & 1
        off = b * EWORDS
        @pl.when(g < vgn)
        def _active():
            @pl.when((g >= 2) & (b == 0))
            def _w0():
                wait_o0(VW)
            @pl.when((g >= 2) & (b == 1))
            def _w1():
                wait_o1(VW)
            ivec = (g * L + iota) << 2
            i0 = plsc.load_gather(vidx_f, [ivec]) << 7
            i1 = plsc.load_gather(vidx_f, [ivec + 1]) << 7
            i2 = plsc.load_gather(vidx_f, [ivec + 2]) << 7
            i3 = plsc.load_gather(vidx_f, [ivec + 3]) << 7
            ovec = (iota << 7) + off

            @plsc.parallel_loop(0, D, unroll=8)
            def _vcols(c):
                acc = (plsc.load_gather(node_f, [i0 + c])
                       + plsc.load_gather(node_f, [i1 + c])
                       + plsc.load_gather(node_f, [i2 + c])
                       + plsc.load_gather(node_f, [i3 + c]))
                plsc.store_scatter(out_f, [ovec + c], acc)
            dst = voutf_hbm.at[pl.ds((vbase + g * L) * D, VW)]
            src = out_f.at[pl.ds(off, VW)]
            @pl.when(b == 0)
            def _i0():
                pltpu.async_copy(src, dst, sem_o0)
            @pl.when(b == 1)
            def _i1():
                pltpu.async_copy(src, dst, sem_o1)
        return carry
    lax.fori_loop(0, VG_MAX, vchunk, 0)

    @pl.when(vgn >= 2)
    def _dv():
        wait_o0(VW)
        wait_o1(VW)

    def echunk(i, carry):
        b = i & 1
        off = b * EWORDS
        @pl.when((i >= 2) & (b == 0))
        def _w0():
            wait_o0(EWORDS)
        @pl.when((i >= 2) & (b == 1))
        def _w1():
            wait_o1(EWORDS)
        def grp(g, carry2):
            lvec = ((i * EG + g) * L + iota) << 2
            e0 = plsc.load_gather(eidx_f, [lvec])
            e1 = plsc.load_gather(eidx_f, [lvec + 1])
            e2 = plsc.load_gather(eidx_f, [lvec + 2])
            e3 = plsc.load_gather(eidx_f, [lvec + 3])
            p01 = ((e0 << 4) + e1) << 7
            p23 = ((e2 << 4) + e3) << 7
            ovec = ((g * L + iota) << 7) + off

            @plsc.parallel_loop(0, D, unroll=8)
            def _cols(c):
                acc = (plsc.load_gather(w2_f, [p01 + c])
                       + plsc.load_gather(w2_f, [p23 + c]))
                plsc.store_scatter(out_f, [ovec + c], acc)
            return carry2
        lax.fori_loop(0, EG, grp, 0)
        dst = eoutf_hbm.at[pl.ds((ebase + i * ECHUNK) * D, EWORDS)]
        src = out_f.at[pl.ds(off, EWORDS)]
        @pl.when(b == 0)
        def _i0():
            pltpu.async_copy(src, dst, sem_o0)
        @pl.when(b == 1)
        def _i1():
            pltpu.async_copy(src, dst, sem_o1)
        return carry
    lax.fori_loop(0, ENCHUNKS, echunk, 0)
    wait_o0(EWORDS)
    wait_o1(EWORDS)


@jax.jit
def _run(V, E, node_W, edge_W):
    Vf = jnp.pad(V.reshape(-1), (0, (VPAD - NV) * 4))
    Ef = E.reshape(-1)
    mesh = plsc.VectorSubcoreMesh(core_axis_name="c", subcore_axis_name="s",
                                  num_cores=NC, num_subcores=NS)
    f = pl.kernel(
        _body,
        out_type=(
            jax.ShapeDtypeStruct((NV * D,), jnp.float32),
            jax.ShapeDtypeStruct((NE * D,), jnp.float32),
        ),
        mesh=mesh,
        scratch_types=[
            pltpu.VMEM((128 * D,), jnp.float32),
            pltpu.VMEM((16 * D,), jnp.float32),
            pltpu.VMEM((256 * D,), jnp.float32),
            pltpu.VMEM((VROWS_MAX * 4,), jnp.int32),
            pltpu.VMEM((TE * 4,), jnp.int32),
            pltpu.VMEM((2 * EWORDS,), jnp.float32),
            pltpu.SemaphoreType.DMA,
            pltpu.SemaphoreType.DMA,
            pltpu.SemaphoreType.DMA,
            pltpu.SemaphoreType.DMA,
        ],
        compiler_params=pltpu.CompilerParams(needs_layout_passes=False),
    )
    voutf, eoutf = f(Vf, Ef, node_W.reshape(-1), edge_W.reshape(-1))
    return voutf.reshape(NV, D), eoutf.reshape(NE, D)


def kernel(V, E, node_W, edge_W):
    return _run(V, E, node_W, edge_W)

# --- scband reference (transcript-rebuilt; emitter-appended) ---
"""Pipeline reference for scband-graph-embedding-47536698032593 (READ-ONLY COPY).

The authoritative reference and input builder live on the scoring server;
editing this copy changes nothing except your own understanding.
"""

import jax, jax.numpy as jnp
import numpy as np


def setup_inputs(seed: int = 0) -> dict:
    key = jax.random.key(seed)
    k1, k2, k3, k4 = jax.random.split(key, 4)
    V = jax.random.randint(k1, (10000, 4), 0, 128, dtype=jnp.int32)
    E = jax.random.randint(k2, (320000, 4), 0, 16, dtype=jnp.int32)
    node_W = jax.random.normal(k3, (128, 128), dtype=jnp.float32)
    edge_W = jax.random.normal(k4, (16, 128), dtype=jnp.float32)
    return {"V": V, "E": E, "node_W": node_W, "edge_W": edge_W}


def reference(V, E, node_W, edge_W):
    # nn.EmbeddingBag(mode='sum') on 2D input: gather rows then sum over bag dim
    V_emb = jnp.take(node_W, V, axis=0).sum(axis=1)   # [N, hidden_dim]
    E_emb = jnp.take(edge_W, E, axis=0).sum(axis=1)   # [Ne, hidden_dim]
    return (V_emb, E_emb)

if __name__ == "__main__":
    import jax
    _d = setup_inputs()
    print(jax.jit(kernel)(*tuple(_d.values())))

</pallas_src>

<mosaic_0001>
#map = affine_map<(d0, d1) -> (0)>
module attributes {stable_mosaic.version = 14 : i64} {
  func.func @_body(%arg0: i32, %arg1: i32, %arg2: memref<40960xi32, #tpu.memory_space<hbm>>, %arg3: memref<1280000xi32, #tpu.memory_space<hbm>>, %arg4: memref<16384xf32, #tpu.memory_space<hbm>>, %arg5: memref<2048xf32, #tpu.memory_space<hbm>>, %arg6: memref<1280000xf32, #tpu.memory_space<hbm>>, %arg7: memref<40960000xf32, #tpu.memory_space<hbm>>, %arg8: memref<16384xf32, #tpu.memory_space<vmem>>, %arg9: memref<2048xf32, #tpu.memory_space<vmem>>, %arg10: memref<32768xf32, #tpu.memory_space<vmem>>, %arg11: memref<1280xi32, #tpu.memory_space<vmem>>, %arg12: memref<40000xi32, #tpu.memory_space<vmem>>, %arg13: memref<20480xf32, #tpu.memory_space<vmem>>, %arg14: memref<!tpu.dma_semaphore, #tpu.memory_space<semaphore_mem>>, %arg15: memref<!tpu.dma_semaphore, #tpu.memory_space<semaphore_mem>>, %arg16: memref<!tpu.dma_semaphore, #tpu.memory_space<semaphore_mem>>, %arg17: memref<!tpu.dma_semaphore, #tpu.memory_space<semaphore_mem>>) attributes {dimension_semantics = [#tpu.dimension_semantics<core_parallel>, #tpu.dimension_semantics<subcore_parallel>], iteration_bounds = array<i64: 2, 16>, scalar_prefetch = 0 : i64, scratch_operands = 10 : i64, tpu.core_type = #tpu.core_type<sc_vector_subcore>, window_params = [{transform_indices = #map}, {transform_indices = #map}, {transform_indices = #map}, {transform_indices = #map}, {transform_indices = #map}, {transform_indices = #map}]} {
    %mul3A = arith.constant 2 : i32
    %mul3A_0 = arith.muli %arg1, %mul3A : i32
    %add3A = arith.addi %mul3A_0, %arg0 : i32
    %iota3A = tpu.iota {dimensions = array<i32: 0>} : vector<16xi32>
    %mul3A_1 = arith.constant 10000 : i32
    %mul3A_2 = arith.muli %add3A, %mul3A_1 : i32
    %mul3A_3 = arith.constant 19 : i32
    %mul3A_4 = arith.muli %add3A, %mul3A_3 : i32
    %min3A = arith.constant 17 : i32
    %min3A_5 = arith.minsi %add3A, %min3A : i32
    %add3A_6 = arith.addi %mul3A_4, %min3A_5 : i32
    %lt3A = arith.constant 17 : i32
    %lt3A_7 = arith.cmpi slt, %add3A, %lt3A : i32
    %jit3A = arith.constant 20 : i32
    %jit3A_8 = arith.constant 19 : i32
    %select_n3A = arith.select %lt3A_7, %jit3A, %jit3A_8 : i32
    %mul3A_9 = arith.constant 16 : i32
    %mul3A_10 = arith.muli %add3A_6, %mul3A_9 : i32
    %mul3A_11 = arith.constant 4 : i32
    %mul3A_12 = arith.muli %mul3A_10, %mul3A_11 : i32
    %dma_start3A = tpu.memref_slice %arg2[%mul3A_12] : memref<40960xi32, #tpu.memory_space<hbm>> -> memref<1280xi32, #tpu.memory_space<hbm>>
    %dma_start3A_13 = tpu.memref_slice %arg2[%mul3A_12] : memref<40960xi32, #tpu.memory_space<hbm>> -> memref<1280xi32, #tpu.memory_space<hbm>>
    tpu.enqueue_dma source(%dma_start3A_13 : memref<1280xi32, #tpu.memory_space<hbm>>) target(%arg11 : memref<1280xi32, #tpu.memory_space<vmem>>) target_semaphore(%arg14 : memref<!tpu.dma_semaphore, #tpu.memory_space<semaphore_mem>>)
    %mul3A_14 = arith.constant 4 : i32
    %mul3A_15 = arith.muli %mul3A_2, %mul3A_14 : i32
    %dma_start3A_16 = tpu.memref_slice %arg3[%mul3A_15] : memref<1280000xi32, #tpu.memory_space<hbm>> -> memref<40000xi32, #tpu.memory_space<hbm>>
    %dma_start3A_17 = tpu.memref_slice %arg3[%mul3A_15] : memref<1280000xi32, #tpu.memory_space<hbm>> -> memref<40000xi32, #tpu.memory_space<hbm>>
    tpu.enqueue_dma source(%dma_start3A_17 : memref<40000xi32, #tpu.memory_space<hbm>>) target(%arg12 : memref<40000xi32, #tpu.memory_space<vmem>>) target_semaphore(%arg15 : memref<!tpu.dma_semaphore, #tpu.memory_space<semaphore_mem>>)
    "tpu.region"() ({
      %run_scoped3A = tpu.sem_alloc : memref<!tpu.dma_semaphore, #tpu.memory_space<semaphore_mem>>
      tpu.enqueue_dma source(%arg4 : memref<16384xf32, #tpu.memory_space<hbm>>) target(%arg8 : memref<16384xf32, #tpu.memory_space<vmem>>) target_semaphore(%run_scoped3A : memref<!tpu.dma_semaphore, #tpu.memory_space<semaphore_mem>>)
      tpu.wait_dma2 semaphore(%run_scoped3A : memref<!tpu.dma_semaphore, #tpu.memory_space<semaphore_mem>>) src(%arg4 : memref<16384xf32, #tpu.memory_space<hbm>>) dst(%arg8 : memref<16384xf32, #tpu.memory_space<vmem>>)
      tpu.yield
    }) : () -> ()
    "tpu.region"() ({
      %run_scoped3A = tpu.sem_alloc : memref<!tpu.dma_semaphore, #tpu.memory_space<semaphore_mem>>
      tpu.enqueue_dma source(%arg5 : memref<2048xf32, #tpu.memory_space<hbm>>) target(%arg9 : memref<2048xf32, #tpu.memory_space<vmem>>) target_semaphore(%run_scoped3A : memref<!tpu.dma_semaphore, #tpu.memory_space<semaphore_mem>>)
      tpu.wait_dma2 semaphore(%run_scoped3A : memref<!tpu.dma_semaphore, #tpu.memory_space<semaphore_mem>>) src(%arg5 : memref<2048xf32, #tpu.memory_space<hbm>>) dst(%arg9 : memref<2048xf32, #tpu.memory_space<vmem>>)
      tpu.yield
    }) : () -> ()
    %scan3A = arith.constant 0 : i32
    %scan3A_18 = arith.constant 0 : i32
    %scan3A_19 = arith.constant 16 : i32
    %scan3A_20 = arith.addi %scan3A_18, %scan3A_19 : i32
    %scan3A_21 = arith.constant 1 : i32
    scf.for %scan3A_56 = %scan3A_18 to %scan3A_20 step %scan3A_21  : i32 {
      %mul3A_57 = arith.constant 16 : i32
      %mul3A_58 = arith.muli %scan3A_56, %mul3A_57 : i32
      %add3A_59 = vector.broadcast %mul3A_58 : i32 to vector<16xi32>
      %add3A_60 = arith.addi %add3A_59, %iota3A : vector<16xi32>
      %shift_right_arithmetic3A = arith.constant 4 : i32
      %shift_right_arithmetic3A_61 = vector.broadcast %shift_right_arithmetic3A : i32 to vector<16xi32>
      %shift_right_arithmetic3A_62 = arith.shrsi %add3A_60, %shift_right_arithmetic3A_61 : vector<16xi32>
      %shift_left3A = arith.constant 7 : i32
      %shift_left3A_63 = vector.broadcast %shift_left3A : i32 to vector<16xi32>
      %shift_left3A_64 = arith.shli %shift_right_arithmetic3A_62, %shift_left3A_63 : vector<16xi32>
      %and3A = arith.constant 15 : i32
      %and3A_65 = vector.broadcast %and3A : i32 to vector<16xi32>
      %and3A_66 = arith.andi %add3A_60, %and3A_65 : vector<16xi32>
      %shift_left3A_67 = arith.constant 7 : i32
      %shift_left3A_68 = vector.broadcast %shift_left3A_67 : i32 to vector<16xi32>
      %shift_left3A_69 = arith.shli %and3A_66, %shift_left3A_68 : vector<16xi32>
      %shift_left3A_70 = arith.constant 7 : i32
      %shift_left3A_71 = vector.broadcast %shift_left3A_70 : i32 to vector<16xi32>
      %shift_left3A_72 = arith.shli %add3A_60, %shift_left3A_71 : vector<16xi32>
      %parallel_loop3A = arith.constant 0 : i32
      %parallel_loop3A_73 = arith.constant 128 : i32
      %parallel_loop3A_74 = arith.constant 1 : i32
      scf.for %parallel_loop3A_75 = %parallel_loop3A to %parallel_loop3A_73 step %parallel_loop3A_74  : i32 {
        %parallel_loop3A_76 = vector.broadcast %parallel_loop3A_75 : i32 to vector<16xi32>
        %parallel_loop3A_77 = arith.addi %shift_left3A_64, %parallel_loop3A_76 : vector<16xi32>
        %parallel_loop3A_78 = tpu.vector_load_idx %arg9[%parallel_loop3A_77] : memref<2048xf32, #tpu.memory_space<vmem>>[vector<16xi32>], vector<16xf32>,
        %parallel_loop3A_79 = vector.broadcast %parallel_loop3A_75 : i32 to vector<16xi32>
        %parallel_loop3A_80 = arith.addi %shift_left3A_69, %parallel_loop3A_79 : vector<16xi32>
        %parallel_loop3A_81 = tpu.vector_load_idx %arg9[%parallel_loop3A_80] : memref<2048xf32, #tpu.memory_space<vmem>>[vector<16xi32>], vector<16xf32>,
        %parallel_loop3A_82 = vector.broadcast %parallel_loop3A_75 : i32 to vector<16xi32>
        %parallel_loop3A_83 = arith.addi %shift_left3A_72, %parallel_loop3A_82 : vector<16xi32>
        %parallel_loop3A_84 = arith.addf %parallel_loop3A_78, %parallel_loop3A_81 : vector<16xf32>
        tpu.vector_store_idx %arg10[%parallel_loop3A_83], %parallel_loop3A_84 : memref<32768xf32, #tpu.memory_space<vmem>>[vector<16xi32>], vector<16xf32>,
      } {sc.loop_unroll_factor = 8 : i64, sc.parallel_access}
    }
    %scan3A_22 = arith.constant 16 : i32
    %dma_wait3A = tpu.memref_slice %arg2[%mul3A_12] : memref<40960xi32, #tpu.memory_space<hbm>> -> memref<1280xi32, #tpu.memory_space<hbm>>
    %dma_wait3A_23 = tpu.memref_slice %arg2[%mul3A_12] : memref<40960xi32, #tpu.memory_space<hbm>> -> memref<1280xi32, #tpu.memory_space<hbm>>
    tpu.wait_dma2 semaphore(%arg14 : memref<!tpu.dma_semaphore, #tpu.memory_space<semaphore_mem>>) src(%dma_wait3A_23 : memref<1280xi32, #tpu.memory_space<hbm>>) dst(%arg11 : memref<1280xi32, #tpu.memory_space<vmem>>)
    %dma_wait3A_24 = tpu.memref_slice %arg3[%mul3A_15] : memref<1280000xi32, #tpu.memory_space<hbm>> -> memref<40000xi32, #tpu.memory_space<hbm>>
    %dma_wait3A_25 = tpu.memref_slice %arg3[%mul3A_15] : memref<1280000xi32, #tpu.memory_space<hbm>> -> memref<40000xi32, #tpu.memory_space<hbm>>
    tpu.wait_dma2 semaphore(%arg15 : memref<!tpu.dma_semaphore, #tpu.memory_space<semaphore_mem>>) src(%dma_wait3A_25 : memref<40000xi32, #tpu.memory_space<hbm>>) dst(%arg12 : memref<40000xi32, #tpu.memory_space<vmem>>)
    %scan3A_26 = arith.constant 0 : i32
    %scan3A_27 = arith.constant 0 : i32
    %scan3A_28 = arith.constant 20 : i32
    %scan3A_29 = arith.addi %scan3A_27, %scan3A_28 : i32
    %scan3A_30 = arith.constant 1 : i32
    scf.for %scan3A_56 = %scan3A_27 to %scan3A_29 step %scan3A_30  : i32 {
      %and3A = arith.constant 1 : i32
      %and3A_57 = arith.andi %scan3A_56, %and3A : i32
      %mul3A_58 = arith.constant 10240 : i32
      %mul3A_59 = arith.muli %and3A_57, %mul3A_58 : i32
      %lt3A_60 = arith.cmpi slt, %scan3A_56, %select_n3A : i32
      %convert_element_type3A_61 = arith.extui %lt3A_60 : i1 to i32
      %cond3A_62 = arith.constant 0 : i32
      %cond3A_63 = arith.cmpi ne, %convert_element_type3A_61, %cond3A_62 : i32
      scf.if %cond3A_63 {
        %ge3A_64 = arith.constant 2 : i32
        %ge3A_65 = arith.cmpi sge, %scan3A_56, %ge3A_64 : i32
        %eq3A = arith.constant 0 : i32
        %eq3A_66 = arith.cmpi eq, %and3A_57, %eq3A : i32
        %and3A_67 = arith.andi %ge3A_65, %eq3A_66 : i1
        %convert_element_type3A_68 = arith.extui %and3A_67 : i1 to i32
        %cond3A_69 = arith.constant 0 : i32
        %cond3A_70 = arith.cmpi ne, %convert_element_type3A_68, %cond3A_69 : i32
        scf.if %cond3A_70 {
          %dma_wait3A_131 = arith.constant 0 : i32
          %dma_wait3A_132 = tpu.memref_slice %arg13[%dma_wait3A_131] : memref<20480xf32, #tpu.memory_space<vmem>> -> memref<2048xf32, #tpu.memory_space<vmem>>
          %dma_wait3A_133 = arith.constant 0 : i32
          %dma_wait3A_134 = tpu.memref_slice %arg7[%dma_wait3A_133] : memref<40960000xf32, #tpu.memory_space<hbm>> -> memref<2048xf32, #tpu.memory_space<hbm>>
          %dma_wait3A_135 = arith.constant 0 : i32
          %dma_wait3A_136 = tpu.memref_slice %arg7[%dma_wait3A_135] : memref<40960000xf32, #tpu.memory_space<hbm>> -> memref<2048xf32, #tpu.memory_space<hbm>>
          %dma_wait3A_137 = arith.constant 0 : i32
          %dma_wait3A_138 = tpu.memref_slice %arg13[%dma_wait3A_137] : memref<20480xf32, #tpu.memory_space<vmem>> -> memref<2048xf32, #tpu.memory_space<vmem>>
          tpu.wait_dma2 semaphore(%arg16 : memref<!tpu.dma_semaphore, #tpu.memory_space<semaphore_mem>>) src(%dma_wait3A_138 : memref<2048xf32, #tpu.memory_space<vmem>>) dst(%dma_wait3A_136 : memref<2048xf32, #tpu.memory_space<hbm>>)
        } else {
        }
        %ge3A_71 = arith.constant 2 : i32
        %ge3A_72 = arith.cmpi sge, %scan3A_56, %ge3A_71 : i32
        %eq3A_73 = arith.constant 1 : i32
        %eq3A_74 = arith.cmpi eq, %and3A_57, %eq3A_73 : i32
        %and3A_75 = arith.andi %ge3A_72, %eq3A_74 : i1
        %convert_element_type3A_76 = arith.extui %and3A_75 : i1 to i32
        %cond3A_77 = arith.constant 0 : i32
        %cond3A_78 = arith.cmpi ne, %convert_element_type3A_76, %cond3A_77 : i32
        scf.if %cond3A_78 {
          %dma_wait3A_131 = arith.constant 0 : i32
          %dma_wait3A_132 = tpu.memref_slice %arg13[%dma_wait3A_131] : memref<20480xf32, #tpu.memory_space<vmem>> -> memref<2048xf32, #tpu.memory_space<vmem>>
          %dma_wait3A_133 = arith.constant 0 : i32
          %dma_wait3A_134 = tpu.memref_slice %arg7[%dma_wait3A_133] : memref<40960000xf32, #tpu.memory_space<hbm>> -> memref<2048xf32, #tpu.memory_space<hbm>>
          %dma_wait3A_135 = arith.constant 0 : i32
          %dma_wait3A_136 = tpu.memref_slice %arg7[%dma_wait3A_135] : memref<40960000xf32, #tpu.memory_space<hbm>> -> memref<2048xf32, #tpu.memory_space<hbm>>
          %dma_wait3A_137 = arith.constant 0 : i32
          %dma_wait3A_138 = tpu.memref_slice %arg13[%dma_wait3A_137] : memref<20480xf32, #tpu.memory_space<vmem>> -> memref<2048xf32, #tpu.memory_space<vmem>>
          tpu.wait_dma2 semaphore(%arg17 : memref<!tpu.dma_semaphore, #tpu.memory_space<semaphore_mem>>) src(%dma_wait3A_138 : memref<2048xf32, #tpu.memory_space<vmem>>) dst(%dma_wait3A_136 : memref<2048xf32, #tpu.memory_space<hbm>>)
        } else {
        }
        %mul3A_79 = arith.constant 16 : i32
        %mul3A_80 = arith.muli %scan3A_56, %mul3A_79 : i32
        %add3A_81 = vector.broadcast %mul3A_80 : i32 to vector<16xi32>
        %add3A_82 = arith.addi %add3A_81, %iota3A : vector<16xi32>
        %shift_left3A = arith.constant 2 : i32
        %shift_left3A_83 = vector.broadcast %shift_left3A : i32 to vector<16xi32>
        %shift_left3A_84 = arith.shli %add3A_82, %shift_left3A_83 : vector<16xi32>
        %gather3A = tpu.vector_load_idx %arg11[%shift_left3A_84] : memref<1280xi32, #tpu.memory_space<vmem>>[vector<16xi32>], vector<16xi32>,
        %shift_left3A_85 = arith.constant 7 : i32
        %shift_left3A_86 = vector.broadcast %shift_left3A_85 : i32 to vector<16xi32>
        %shift_left3A_87 = arith.shli %gather3A, %shift_left3A_86 : vector<16xi32>
        %add3A_88 = arith.constant 1 : i32
        %add3A_89 = vector.broadcast %add3A_88 : i32 to vector<16xi32>
        %add3A_90 = arith.addi %shift_left3A_84, %add3A_89 : vector<16xi32>
        %gather3A_91 = tpu.vector_load_idx %arg11[%add3A_90] : memref<1280xi32, #tpu.memory_space<vmem>>[vector<16xi32>], vector<16xi32>,
        %shift_left3A_92 = arith.constant 7 : i32
        %shift_left3A_93 = vector.broadcast %shift_left3A_92 : i32 to vector<16xi32>
        %shift_left3A_94 = arith.shli %gather3A_91, %shift_left3A_93 : vector<16xi32>
        %add3A_95 = arith.constant 2 : i32
        %add3A_96 = vector.broadcast %add3A_95 : i32 to vector<16xi32>
        %add3A_97 = arith.addi %shift_left3A_84, %add3A_96 : vector<16xi32>
        %gather3A_98 = tpu.vector_load_idx %arg11[%add3A_97] : memref<1280xi32, #tpu.memory_space<vmem>>[vector<16xi32>], vector<16xi32>,
        %shift_left3A_99 = arith.constant 7 : i32
        %shift_left3A_100 = vector.broadcast %shift_left3A_99 : i32 to vector<16xi32>
        %shift_left3A_101 = arith.shli %gather3A_98, %shift_left3A_100 : vector<16xi32>
        %add3A_102 = arith.constant 3 : i32
        %add3A_103 = vector.broadcast %add3A_102 : i32 to vector<16xi32>
        %add3A_104 = arith.addi %shift_left3A_84, %add3A_103 : vector<16xi32>
        %gather3A_105 = tpu.vector_load_idx %arg11[%add3A_104] : memref<1280xi32, #tpu.memory_space<vmem>>[vector<16xi32>], vector<16xi32>,
        %shift_left3A_106 = arith.constant 7 : i32
        %shift_left3A_107 = vector.broadcast %shift_left3A_106 : i32 to vector<16xi32>
        %shift_left3A_108 = arith.shli %gather3A_105, %shift_left3A_107 : vector<16xi32>
        %shift_left3A_109 = arith.constant 7 : i32
        %shift_left3A_110 = vector.broadcast %shift_left3A_109 : i32 to vector<16xi32>
        %shift_left3A_111 = arith.shli %iota3A, %shift_left3A_110 : vector<16xi32>
        %add3A_112 = vector.broadcast %mul3A_59 : i32 to vector<16xi32>
        %add3A_113 = arith.addi %shift_left3A_111, %add3A_112 : vector<16xi32>
        %parallel_loop3A = arith.constant 0 : i32
        %parallel_loop3A_114 = arith.constant 128 : i32
        %parallel_loop3A_115 = arith.constant 1 : i32
        scf.for %parallel_loop3A_131 = %parallel_loop3A to %parallel_loop3A_114 step %parallel_loop3A_115  : i32 {
          %parallel_loop3A_132 = vector.broadcast %parallel_loop3A_131 : i32 to vector<16xi32>
          %parallel_loop3A_133 = arith.addi %shift_left3A_87, %parallel_loop3A_132 : vector<16xi32>
          %parallel_loop3A_134 = tpu.vector_load_idx %arg8[%parallel_loop3A_133] : memref<16384xf32, #tpu.memory_space<vmem>>[vector<16xi32>], vector<16xf32>,
          %parallel_loop3A_135 = vector.broadcast %parallel_loop3A_131 : i32 to vector<16xi32>
          %parallel_loop3A_136 = arith.addi %shift_left3A_94, %parallel_loop3A_135 : vector<16xi32>
          %parallel_loop3A_137 = tpu.vector_load_idx %arg8[%parallel_loop3A_136] : memref<16384xf32, #tpu.memory_space<vmem>>[vector<16xi32>], vector<16xf32>,
          %parallel_loop3A_138 = arith.addf %parallel_loop3A_134, %parallel_loop3A_137 : vector<16xf32>
          %parallel_loop3A_139 = vector.broadcast %parallel_loop3A_131 : i32 to vector<16xi32>
          %parallel_loop3A_140 = arith.addi %shift_left3A_101, %parallel_loop3A_139 : vector<16xi32>
          %parallel_loop3A_141 = tpu.vector_load_idx %arg8[%parallel_loop3A_140] : memref<16384xf32, #tpu.memory_space<vmem>>[vector<16xi32>], vector<16xf32>,
          %parallel_loop3A_142 = arith.addf %parallel_loop3A_138, %parallel_loop3A_141 : vector<16xf32>
          %parallel_loop3A_143 = vector.broadcast %parallel_loop3A_131 : i32 to vector<16xi32>
          %parallel_loop3A_144 = arith.addi %shift_left3A_108, %parallel_loop3A_143 : vector<16xi32>
          %parallel_loop3A_145 = tpu.vector_load_idx %arg8[%parallel_loop3A_144] : memref<16384xf32, #tpu.memory_space<vmem>>[vector<16xi32>], vector<16xf32>,
          %parallel_loop3A_146 = arith.addf %parallel_loop3A_142, %parallel_loop3A_145 : vector<16xf32>
          %parallel_loop3A_147 = vector.broadcast %parallel_loop3A_131 : i32 to vector<16xi32>
          %parallel_loop3A_148 = arith.addi %add3A_113, %parallel_loop3A_147 : vector<16xi32>
          tpu.vector_store_idx %arg13[%parallel_loop3A_148], %parallel_loop3A_146 : memref<20480xf32, #tpu.memory_space<vmem>>[vector<16xi32>], vector<16xf32>,
        } {sc.loop_unroll_factor = 8 : i64, sc.parallel_access}
        %mul3A_116 = arith.constant 16 : i32
        %mul3A_117 = arith.muli %scan3A_56, %mul3A_116 : i32
        %add3A_118 = arith.addi %mul3A_10, %mul3A_117 : i32
        %mul3A_119 = arith.constant 128 : i32
        %mul3A_120 = arith.muli %add3A_118, %mul3A_119 : i32
        %eq3A_121 = arith.constant 0 : i32
        %eq3A_122 = arith.cmpi eq, %and3A_57, %eq3A_121 : i32
        %convert_element_type3A_123 = arith.extui %eq3A_122 : i1 to i32
        %cond3A_124 = arith.constant 0 : i32
        %cond3A_125 = arith.cmpi ne, %convert_element_type3A_123, %cond3A_124 : i32
        scf.if %cond3A_125 {
          %dma_start3A_131 = tpu.memref_slice %arg13[%mul3A_59] : memref<20480xf32, #tpu.memory_space<vmem>> -> memref<2048xf32, #tpu.memory_space<vmem>>
          %dma_start3A_132 = tpu.memref_slice %arg6[%mul3A_120] : memref<1280000xf32, #tpu.memory_space<hbm>> -> memref<2048xf32, #tpu.memory_space<hbm>>
          %dma_start3A_133 = tpu.memref_slice %arg6[%mul3A_120] : memref<1280000xf32, #tpu.memory_space<hbm>> -> memref<2048xf32, #tpu.memory_space<hbm>>
          %dma_start3A_134 = tpu.memref_slice %arg13[%mul3A_59] : memref<20480xf32, #tpu.memory_space<vmem>> -> memref<2048xf32, #tpu.memory_space<vmem>>
          tpu.enqueue_dma source(%dma_start3A_134 : memref<2048xf32, #tpu.memory_space<vmem>>) target(%dma_start3A_133 : memref<2048xf32, #tpu.memory_space<hbm>>) target_semaphore(%arg16 : memref<!tpu.dma_semaphore, #tpu.memory_space<semaphore_mem>>)
        } else {
        }
        %eq3A_126 = arith.constant 1 : i32
        %eq3A_127 = arith.cmpi eq, %and3A_57, %eq3A_126 : i32
        %convert_element_type3A_128 = arith.extui %eq3A_127 : i1 to i32
        %cond3A_129 = arith.constant 0 : i32
        %cond3A_130 = arith.cmpi ne, %convert_element_type3A_128, %cond3A_129 : i32
        scf.if %cond3A_130 {
          %dma_start3A_131 = tpu.memref_slice %arg13[%mul3A_59] : memref<20480xf32, #tpu.memory_space<vmem>> -> memref<2048xf32, #tpu.memory_space<vmem>>
          %dma_start3A_132 = tpu.memref_slice %arg6[%mul3A_120] : memref<1280000xf32, #tpu.memory_space<hbm>> -> memref<2048xf32, #tpu.memory_space<hbm>>
          %dma_start3A_133 = tpu.memref_slice %arg6[%mul3A_120] : memref<1280000xf32, #tpu.memory_space<hbm>> -> memref<2048xf32, #tpu.memory_space<hbm>>
          %dma_start3A_134 = tpu.memref_slice %arg13[%mul3A_59] : memref<20480xf32, #tpu.memory_space<vmem>> -> memref<2048xf32, #tpu.memory_space<vmem>>
          tpu.enqueue_dma source(%dma_start3A_134 : memref<2048xf32, #tpu.memory_space<vmem>>) target(%dma_start3A_133 : memref<2048xf32, #tpu.memory_space<hbm>>) target_semaphore(%arg17 : memref<!tpu.dma_semaphore, #tpu.memory_space<semaphore_mem>>)
        } else {
        }
      } else {
      }
    }
    %scan3A_31 = arith.constant 20 : i32
    %ge3A = arith.constant 2 : i32
    %ge3A_32 = arith.cmpi sge, %select_n3A, %ge3A : i32
    %convert_element_type3A = arith.extui %ge3A_32 : i1 to i32
    %cond3A = arith.constant 0 : i32
    %cond3A_33 = arith.cmpi ne, %convert_element_type3A, %cond3A : i32
    scf.if %cond3A_33 {
      %dma_wait3A_56 = arith.constant 0 : i32
      %dma_wait3A_57 = tpu.memref_slice %arg13[%dma_wait3A_56] : memref<20480xf32, #tpu.memory_space<vmem>> -> memref<2048xf32, #tpu.memory_space<vmem>>
      %dma_wait3A_58 = arith.constant 0 : i32
      %dma_wait3A_59 = tpu.memref_slice %arg7[%dma_wait3A_58] : memref<40960000xf32, #tpu.memory_space<hbm>> -> memref<2048xf32, #tpu.memory_space<hbm>>
      %dma_wait3A_60 = arith.constant 0 : i32
      %dma_wait3A_61 = tpu.memref_slice %arg7[%dma_wait3A_60] : memref<40960000xf32, #tpu.memory_space<hbm>> -> memref<2048xf32, #tpu.memory_space<hbm>>
      %dma_wait3A_62 = arith.constant 0 : i32
      %dma_wait3A_63 = tpu.memref_slice %arg13[%dma_wait3A_62] : memref<20480xf32, #tpu.memory_space<vmem>> -> memref<2048xf32, #tpu.memory_space<vmem>>
      tpu.wait_dma2 semaphore(%arg16 : memref<!tpu.dma_semaphore, #tpu.memory_space<semaphore_mem>>) src(%dma_wait3A_63 : memref<2048xf32, #tpu.memory_space<vmem>>) dst(%dma_wait3A_61 : memref<2048xf32, #tpu.memory_space<hbm>>)
      %dma_wait3A_64 = arith.constant 0 : i32
      %dma_wait3A_65 = tpu.memref_slice %arg13[%dma_wait3A_64] : memref<20480xf32, #tpu.memory_space<vmem>> -> memref<2048xf32, #tpu.memory_space<vmem>>
      %dma_wait3A_66 = arith.constant 0 : i32
      %dma_wait3A_67 = tpu.memref_slice %arg7[%dma_wait3A_66] : memref<40960000xf32, #tpu.memory_space<hbm>> -> memref<2048xf32, #tpu.memory_space<hbm>>
      %dma_wait3A_68 = arith.constant 0 : i32
      %dma_wait3A_69 = tpu.memref_slice %arg7[%dma_wait3A_68] : memref<40960000xf32, #tpu.memory_space<hbm>> -> memref<2048xf32, #tpu.memory_space<hbm>>
      %dma_wait3A_70 = arith.constant 0 : i32
      %dma_wait3A_71 = tpu.memref_slice %arg13[%dma_wait3A_70] : memref<20480xf32, #tpu.memory_space<vmem>> -> memref<2048xf32, #tpu.memory_space<vmem>>
      tpu.wait_dma2 semaphore(%arg17 : memref<!tpu.dma_semaphore, #tpu.memory_space<semaphore_mem>>) src(%dma_wait3A_71 : memref<2048xf32, #tpu.memory_space<vmem>>) dst(%dma_wait3A_69 : memref<2048xf32, #tpu.memory_space<hbm>>)
    } else {
    }
    %scan3A_34 = arith.constant 0 : i32
    %scan3A_35 = arith.constant 0 : i32
    %scan3A_36 = arith.constant 125 : i32
    %scan3A_37 = arith.addi %scan3A_35, %scan3A_36 : i32
    %scan3A_38 = arith.constant 1 : i32
    scf.for %scan3A_56 = %scan3A_35 to %scan3A_37 step %scan3A_38  : i32 {
      %and3A = arith.constant 1 : i32
      %and3A_57 = arith.andi %scan3A_56, %and3A : i32
      %mul3A_58 = arith.constant 10240 : i32
      %mul3A_59 = arith.muli %and3A_57, %mul3A_58 : i32
      %ge3A_60 = arith.constant 2 : i32
      %ge3A_61 = arith.cmpi sge, %scan3A_56, %ge3A_60 : i32
      %eq3A = arith.constant 0 : i32
      %eq3A_62 = arith.cmpi eq, %and3A_57, %eq3A : i32
      %and3A_63 = arith.andi %ge3A_61, %eq3A_62 : i1
      %convert_element_type3A_64 = arith.extui %and3A_63 : i1 to i32
      %cond3A_65 = arith.constant 0 : i32
      %cond3A_66 = arith.cmpi ne, %convert_element_type3A_64, %cond3A_65 : i32
      scf.if %cond3A_66 {
        %dma_wait3A_96 = arith.constant 0 : i32
        %dma_wait3A_97 = tpu.memref_slice %arg13[%dma_wait3A_96] : memref<20480xf32, #tpu.memory_space<vmem>> -> memref<10240xf32, #tpu.memory_space<vmem>>
        %dma_wait3A_98 = arith.constant 0 : i32
        %dma_wait3A_99 = tpu.memref_slice %arg7[%dma_wait3A_98] : memref<40960000xf32, #tpu.memory_space<hbm>> -> memref<10240xf32, #tpu.memory_space<hbm>>
        %dma_wait3A_100 = arith.constant 0 : i32
        %dma_wait3A_101 = tpu.memref_slice %arg7[%dma_wait3A_100] : memref<40960000xf32, #tpu.memory_space<hbm>> -> memref<10240xf32, #tpu.memory_space<hbm>>
        %dma_wait3A_102 = arith.constant 0 : i32
        %dma_wait3A_103 = tpu.memref_slice %arg13[%dma_wait3A_102] : memref<20480xf32, #tpu.memory_space<vmem>> -> memref<10240xf32, #tpu.memory_space<vmem>>
        tpu.wait_dma2 semaphore(%arg16 : memref<!tpu.dma_semaphore, #tpu.memory_space<semaphore_mem>>) src(%dma_wait3A_103 : memref<10240xf32, #tpu.memory_space<vmem>>) dst(%dma_wait3A_101 : memref<10240xf32, #tpu.memory_space<hbm>>)
      } else {
      }
      %ge3A_67 = arith.constant 2 : i32
      %ge3A_68 = arith.cmpi sge, %scan3A_56, %ge3A_67 : i32
      %eq3A_69 = arith.constant 1 : i32
      %eq3A_70 = arith.cmpi eq, %and3A_57, %eq3A_69 : i32
      %and3A_71 = arith.andi %ge3A_68, %eq3A_70 : i1
      %convert_element_type3A_72 = arith.extui %and3A_71 : i1 to i32
      %cond3A_73 = arith.constant 0 : i32
      %cond3A_74 = arith.cmpi ne, %convert_element_type3A_72, %cond3A_73 : i32
      scf.if %cond3A_74 {
        %dma_wait3A_96 = arith.constant 0 : i32
        %dma_wait3A_97 = tpu.memref_slice %arg13[%dma_wait3A_96] : memref<20480xf32, #tpu.memory_space<vmem>> -> memref<10240xf32, #tpu.memory_space<vmem>>
        %dma_wait3A_98 = arith.constant 0 : i32
        %dma_wait3A_99 = tpu.memref_slice %arg7[%dma_wait3A_98] : memref<40960000xf32, #tpu.memory_space<hbm>> -> memref<10240xf32, #tpu.memory_space<hbm>>
        %dma_wait3A_100 = arith.constant 0 : i32
        %dma_wait3A_101 = tpu.memref_slice %arg7[%dma_wait3A_100] : memref<40960000xf32, #tpu.memory_space<hbm>> -> memref<10240xf32, #tpu.memory_space<hbm>>
        %dma_wait3A_102 = arith.constant 0 : i32
        %dma_wait3A_103 = tpu.memref_slice %arg13[%dma_wait3A_102] : memref<20480xf32, #tpu.memory_space<vmem>> -> memref<10240xf32, #tpu.memory_space<vmem>>
        tpu.wait_dma2 semaphore(%arg17 : memref<!tpu.dma_semaphore, #tpu.memory_space<semaphore_mem>>) src(%dma_wait3A_103 : memref<10240xf32, #tpu.memory_space<vmem>>) dst(%dma_wait3A_101 : memref<10240xf32, #tpu.memory_space<hbm>>)
      } else {
      }
      %scan3A_75 = arith.constant 0 : i32
      %scan3A_76 = arith.constant 0 : i32
      %scan3A_77 = arith.constant 5 : i32
      %scan3A_78 = arith.addi %scan3A_76, %scan3A_77 : i32
      %scan3A_79 = arith.constant 1 : i32
      scf.for %scan3A_96 = %scan3A_76 to %scan3A_78 step %scan3A_79  : i32 {
        %mul3A_97 = arith.constant 5 : i32
        %mul3A_98 = arith.muli %scan3A_56, %mul3A_97 : i32
        %add3A_99 = arith.addi %mul3A_98, %scan3A_96 : i32
        %mul3A_100 = arith.constant 16 : i32
        %mul3A_101 = arith.muli %add3A_99, %mul3A_100 : i32
        %add3A_102 = vector.broadcast %mul3A_101 : i32 to vector<16xi32>
        %add3A_103 = arith.addi %add3A_102, %iota3A : vector<16xi32>
        %shift_left3A = arith.constant 2 : i32
        %shift_left3A_104 = vector.broadcast %shift_left3A : i32 to vector<16xi32>
        %shift_left3A_105 = arith.shli %add3A_103, %shift_left3A_104 : vector<16xi32>
        %gather3A = tpu.vector_load_idx %arg12[%shift_left3A_105] : memref<40000xi32, #tpu.memory_space<vmem>>[vector<16xi32>], vector<16xi32>,
        %add3A_106 = arith.constant 1 : i32
        %add3A_107 = vector.broadcast %add3A_106 : i32 to vector<16xi32>
        %add3A_108 = arith.addi %shift_left3A_105, %add3A_107 : vector<16xi32>
        %gather3A_109 = tpu.vector_load_idx %arg12[%add3A_108] : memref<40000xi32, #tpu.memory_space<vmem>>[vector<16xi32>], vector<16xi32>,
        %add3A_110 = arith.constant 2 : i32
        %add3A_111 = vector.broadcast %add3A_110 : i32 to vector<16xi32>
        %add3A_112 = arith.addi %shift_left3A_105, %add3A_111 : vector<16xi32>
        %gather3A_113 = tpu.vector_load_idx %arg12[%add3A_112] : memref<40000xi32, #tpu.memory_space<vmem>>[vector<16xi32>], vector<16xi32>,
        %add3A_114 = arith.constant 3 : i32
        %add3A_115 = vector.broadcast %add3A_114 : i32 to vector<16xi32>
        %add3A_116 = arith.addi %shift_left3A_105, %add3A_115 : vector<16xi32>
        %gather3A_117 = tpu.vector_load_idx %arg12[%add3A_116] : memref<40000xi32, #tpu.memory_space<vmem>>[vector<16xi32>], vector<16xi32>,
        %shift_left3A_118 = arith.constant 4 : i32
        %shift_left3A_119 = vector.broadcast %shift_left3A_118 : i32 to vector<16xi32>
        %shift_left3A_120 = arith.shli %gather3A, %shift_left3A_119 : vector<16xi32>
        %add3A_121 = arith.addi %shift_left3A_120, %gather3A_109 : vector<16xi32>
        %shift_left3A_122 = arith.constant 7 : i32
        %shift_left3A_123 = vector.broadcast %shift_left3A_122 : i32 to vector<16xi32>
        %shift_left3A_124 = arith.shli %add3A_121, %shift_left3A_123 : vector<16xi32>
        %shift_left3A_125 = arith.constant 4 : i32
        %shift_left3A_126 = vector.broadcast %shift_left3A_125 : i32 to vector<16xi32>
        %shift_left3A_127 = arith.shli %gather3A_113, %shift_left3A_126 : vector<16xi32>
        %add3A_128 = arith.addi %shift_left3A_127, %gather3A_117 : vector<16xi32>
        %shift_left3A_129 = arith.constant 7 : i32
        %shift_left3A_130 = vector.broadcast %shift_left3A_129 : i32 to vector<16xi32>
        %shift_left3A_131 = arith.shli %add3A_128, %shift_left3A_130 : vector<16xi32>
        %mul3A_132 = arith.constant 16 : i32
        %mul3A_133 = arith.muli %scan3A_96, %mul3A_132 : i32
        %add3A_134 = vector.broadcast %mul3A_133 : i32 to vector<16xi32>
        %add3A_135 = arith.addi %add3A_134, %iota3A : vector<16xi32>
        %shift_left3A_136 = arith.constant 7 : i32
        %shift_left3A_137 = vector.broadcast %shift_left3A_136 : i32 to vector<16xi32>
        %shift_left3A_138 = arith.shli %add3A_135, %shift_left3A_137 : vector<16xi32>
        %add3A_139 = vector.broadcast %mul3A_59 : i32 to vector<16xi32>
        %add3A_140 = arith.addi %shift_left3A_138, %add3A_139 : vector<16xi32>
        %parallel_loop3A = arith.constant 0 : i32
        %parallel_loop3A_141 = arith.constant 128 : i32
        %parallel_loop3A_142 = arith.constant 1 : i32
        scf.for %parallel_loop3A_143 = %parallel_loop3A to %parallel_loop3A_141 step %parallel_loop3A_142  : i32 {
          %parallel_loop3A_144 = vector.broadcast %parallel_loop3A_143 : i32 to vector<16xi32>
          %parallel_loop3A_145 = arith.addi %shift_left3A_124, %parallel_loop3A_144 : vector<16xi32>
          %parallel_loop3A_146 = tpu.vector_load_idx %arg10[%parallel_loop3A_145] : memref<32768xf32, #tpu.memory_space<vmem>>[vector<16xi32>], vector<16xf32>,
          %parallel_loop3A_147 = vector.broadcast %parallel_loop3A_143 : i32 to vector<16xi32>
          %parallel_loop3A_148 = arith.addi %shift_left3A_131, %parallel_loop3A_147 : vector<16xi32>
          %parallel_loop3A_149 = tpu.vector_load_idx %arg10[%parallel_loop3A_148] : memref<32768xf32, #tpu.memory_space<vmem>>[vector<16xi32>], vector<16xf32>,
          %parallel_loop3A_150 = arith.addf %parallel_loop3A_146, %parallel_loop3A_149 : vector<16xf32>
          %parallel_loop3A_151 = vector.broadcast %parallel_loop3A_143 : i32 to vector<16xi32>
          %parallel_loop3A_152 = arith.addi %add3A_140, %parallel_loop3A_151 : vector<16xi32>
          tpu.vector_store_idx %arg13[%parallel_loop3A_152], %parallel_loop3A_150 : memref<20480xf32, #tpu.memory_space<vmem>>[vector<16xi32>], vector<16xf32>,
        } {sc.loop_unroll_factor = 8 : i64, sc.parallel_access}
      }
      %scan3A_80 = arith.constant 5 : i32
      %mul3A_81 = arith.constant 80 : i32
      %mul3A_82 = arith.muli %scan3A_56, %mul3A_81 : i32
      %add3A_83 = arith.addi %mul3A_2, %mul3A_82 : i32
      %mul3A_84 = arith.constant 128 : i32
      %mul3A_85 = arith.muli %add3A_83, %mul3A_84 : i32
      %eq3A_86 = arith.constant 0 : i32
      %eq3A_87 = arith.cmpi eq, %and3A_57, %eq3A_86 : i32
      %convert_element_type3A_88 = arith.extui %eq3A_87 : i1 to i32
      %cond3A_89 = arith.constant 0 : i32
      %cond3A_90 = arith.cmpi ne, %convert_element_type3A_88, %cond3A_89 : i32
      scf.if %cond3A_90 {
        %dma_start3A_96 = tpu.memref_slice %arg13[%mul3A_59] : memref<20480xf32, #tpu.memory_space<vmem>> -> memref<10240xf32, #tpu.memory_space<vmem>>
        %dma_start3A_97 = tpu.memref_slice %arg7[%mul3A_85] : memref<40960000xf32, #tpu.memory_space<hbm>> -> memref<10240xf32, #tpu.memory_space<hbm>>
        %dma_start3A_98 = tpu.memref_slice %arg7[%mul3A_85] : memref<40960000xf32, #tpu.memory_space<hbm>> -> memref<10240xf32, #tpu.memory_space<hbm>>
        %dma_start3A_99 = tpu.memref_slice %arg13[%mul3A_59] : memref<20480xf32, #tpu.memory_space<vmem>> -> memref<10240xf32, #tpu.memory_space<vmem>>
        tpu.enqueue_dma source(%dma_start3A_99 : memref<10240xf32, #tpu.memory_space<vmem>>) target(%dma_start3A_98 : memref<10240xf32, #tpu.memory_space<hbm>>) target_semaphore(%arg16 : memref<!tpu.dma_semaphore, #tpu.memory_space<semaphore_mem>>)
      } else {
      }
      %eq3A_91 = arith.constant 1 : i32
      %eq3A_92 = arith.cmpi eq, %and3A_57, %eq3A_91 : i32
      %convert_element_type3A_93 = arith.extui %eq3A_92 : i1 to i32
      %cond3A_94 = arith.constant 0 : i32
      %cond3A_95 = arith.cmpi ne, %convert_element_type3A_93, %cond3A_94 : i32
      scf.if %cond3A_95 {
        %dma_start3A_96 = tpu.memref_slice %arg13[%mul3A_59] : memref<20480xf32, #tpu.memory_space<vmem>> -> memref<10240xf32, #tpu.memory_space<vmem>>
        %dma_start3A_97 = tpu.memref_slice %arg7[%mul3A_85] : memref<40960000xf32, #tpu.memory_space<hbm>> -> memref<10240xf32, #tpu.memory_space<hbm>>
        %dma_start3A_98 = tpu.memref_slice %arg7[%mul3A_85] : memref<40960000xf32, #tpu.memory_space<hbm>> -> memref<10240xf32, #tpu.memory_space<hbm>>
        %dma_start3A_99 = tpu.memref_slice %arg13[%mul3A_59] : memref<20480xf32, #tpu.memory_space<vmem>> -> memref<10240xf32, #tpu.memory_space<vmem>>
        tpu.enqueue_dma source(%dma_start3A_99 : memref<10240xf32, #tpu.memory_space<vmem>>) target(%dma_start3A_98 : memref<10240xf32, #tpu.memory_space<hbm>>) target_semaphore(%arg17 : memref<!tpu.dma_semaphore, #tpu.memory_space<semaphore_mem>>)
      } else {
      }
    }
    %scan3A_39 = arith.constant 125 : i32
    %dma_wait3A_40 = arith.constant 0 : i32
    %dma_wait3A_41 = tpu.memref_slice %arg13[%dma_wait3A_40] : memref<20480xf32, #tpu.memory_space<vmem>> -> memref<10240xf32, #tpu.memory_space<vmem>>
    %dma_wait3A_42 = arith.constant 0 : i32
    %dma_wait3A_43 = tpu.memref_slice %arg7[%dma_wait3A_42] : memref<40960000xf32, #tpu.memory_space<hbm>> -> memref<10240xf32, #tpu.memory_space<hbm>>
    %dma_wait3A_44 = arith.constant 0 : i32
    %dma_wait3A_45 = tpu.memref_slice %arg7[%dma_wait3A_44] : memref<40960000xf32, #tpu.memory_space<hbm>> -> memref<10240xf32, #tpu.memory_space<hbm>>
    %dma_wait3A_46 = arith.constant 0 : i32
    %dma_wait3A_47 = tpu.memref_slice %arg13[%dma_wait3A_46] : memref<20480xf32, #tpu.memory_space<vmem>> -> memref<10240xf32, #tpu.memory_space<vmem>>
    tpu.wait_dma2 semaphore(%arg16 : memref<!tpu.dma_semaphore, #tpu.memory_space<semaphore_mem>>) src(%dma_wait3A_47 : memref<10240xf32, #tpu.memory_space<vmem>>) dst(%dma_wait3A_45 : memref<10240xf32, #tpu.memory_space<hbm>>)
    %dma_wait3A_48 = arith.constant 0 : i32
    %dma_wait3A_49 = tpu.memref_slice %arg13[%dma_wait3A_48] : memref<20480xf32, #tpu.memory_space<vmem>> -> memref<10240xf32, #tpu.memory_space<vmem>>
    %dma_wait3A_50 = arith.constant 0 : i32
    %dma_wait3A_51 = tpu.memref_slice %arg7[%dma_wait3A_50] : memref<40960000xf32, #tpu.memory_space<hbm>> -> memref<10240xf32, #tpu.memory_space<hbm>>
    %dma_wait3A_52 = arith.constant 0 : i32
    %dma_wait3A_53 = tpu.memref_slice %arg7[%dma_wait3A_52] : memref<40960000xf32, #tpu.memory_space<hbm>> -> memref<10240xf32, #tpu.memory_space<hbm>>
    %dma_wait3A_54 = arith.constant 0 : i32
    %dma_wait3A_55 = tpu.memref_slice %arg13[%dma_wait3A_54] : memref<20480xf32, #tpu.memory_space<vmem>> -> memref<10240xf32, #tpu.memory_space<vmem>>
    tpu.wait_dma2 semaphore(%arg17 : memref<!tpu.dma_semaphore, #tpu.memory_space<semaphore_mem>>) src(%dma_wait3A_55 : memref<10240xf32, #tpu.memory_space<vmem>>) dst(%dma_wait3A_53 : memref<10240xf32, #tpu.memory_space<hbm>>)
    return
  }
}

</mosaic_0001>

<sc_bundles>
// kernel: _run.3.cloned.1.call-start
scs
__scs_entry_jumppad:
0x0: {  	(pc) =	sbr.rel $0x88, $3  }
0x1: {  	(tag) =	ssettag $0x0;
	lr =	simm.s32 $0x1  }
0x2: {  	[smem:$0x3F9D] =	sst lr;
	_ =	strace $0xD0000000  }
0x3: {  	_ = 	snop  }
0x4: {  	_ = 	snop  }
0x5: {  	_ = 	snop  }
0x6: {  	_ = 	snop  }
0x7: {  	_ = 	snop  }
__scs_overlays_trampoline_lowered:
0x8: {  	[smem:$0x3FAC] =	sst s0  }
0x9: {  	[smem:$0x3FAD] =	sst s1  }
0xa: {  	[smem:$0x3FAE] =	sst s2  }
0xb: {  	[smem:$0x3FAF] =	sst s3  }
0xc: {  	[smem:$0x3FB0] =	sst s4  }
0xd: {  	[smem:$0x3FB1] =	sst s5  }
0xe: {  	[smem:$0x3FB2] =	sst s6  }
0xf: {  	[smem:$0x3FB3] =	sst s7  }
0x10: {  	[smem:$0x3FB4] =	sst s8  }
0x11: {  	[smem:$0x3FB5] =	sst s9;
	s0 =	simm.s32 @!p0 $0x0  }
0x12: {  	s1 =	sld [smem:$0x3F9B];
	s0 =	simm.s32 @p0 $0x1  }
0x13: {  	[smem:$0x3FB6] =	sst s0;
	s0 =	simm.s32 @!p1 $0x0  }
0x14: {  	s2 =	sld [smem:$0x3F9A];
	s0 =	simm.s32 @p1 $0x1  }
0x15: {  	[smem:$0x3FB7] =	sst s0;
	s0 =	simm.s32 @!p2 $0x0  }
0x16: {  	s3 =	sld [smem:$0x3FDB];
	s0 =	simm.s32 @p2 $0x1  }
0x17: {  	s4 =	simm.s32 $0x1BF5;
	[smem:$0x3FB9] =	sst s0  }
0x18: {  	s0 =	sld [smem:$0x3F9C];
	_ =	swait.ge [sflag:s4], $0x0  }
0x19: {  	s7 =	sld [smem:$0x3F9D]  }
0x1a: {  	s8 =	sadd.s32 $0xFFFFE003, lr  }
0x1b: {  	s9 =	sadd.s32 $0xFFFFFEF7, lr;
	s5 =	simm.s32 $0xFFFFFFFF;
	p2 =	slt.u32 s8, $0xFFFFF086  }
0x1c: {  	p1 =	slt.u32 s9, $0xF7A;
	s5 =	simm.s32 @!p2 $0x0  }
0x1d: {  	s5 =	simm.s32 @p1 $0x1;
	p0 =	seq.s32 s7, s2  }
0x1e: {  	s7 =	smul.u32 @!p0 $0xF7A, s2;
	p2 =	seq.s32 @!p0 s5, $0x0  }
0x1f: {  	s9 =	smul.u32 $0xF7A, s1;
	s8 =	simm.s32 @!p0 $0x1BF5;
	p2 =	por !p2, p0  }
0x20: {  	[sflag:s8] =	ssyncset.s32 @!p0 $0xFFFFF086;
	s6 =	sadd.s32 @!p0 s3, s7;
	s7 =	simm.s32 @!p0 $0x108  }
0x21: {  	s3 =	sadd.s32 s3, s9;
	s6 =	sadd.s32 @!p0 $0x88, s6;
	s7 =	simm.s32 @p2 $0x1082  }
0x22: {  	[simem:s7], [sflag:s8] =	dma.local @!p0 [hbm:s6], $0xF7A  }
0x23: {  	s9 =	sor.u32 $0xD0000000, s2;
	s6 =	simm.s32 $0x108;
	_ =	swait.ge @!p0 [sflag:s8], $0x0  }
0x24: {  	s3 =	sadd.s32 $0x88, s3;
	s6 =	simm.s32 @!p1 $0x1082;
	[sflag:s4] =	ssyncset.s32 $0xFFFFF086  }
0x25: {  	[simem:s6], [sflag:s4] =	dma.local [hbm:s3], $0xF7A  }
0x26: {  	[smem:$0x3F9D] =	sst s1;
	(tag) =	ssettag s2;
	_ =	strace s9  }
0x27: {  	s1 =	sld [smem:$0x3FAD]  }
0x28: {  	s2 =	sld [smem:$0x3FAE]  }
0x29: {  	s4 =	sld [smem:$0x3FB0]  }
0x2a: {  	p0 =	seq.s32 s5, $0x0;
	s5 =	sld [smem:$0x3FB1]  }
0x2b: {  	s6 =	sld [smem:$0x3FB2]  }
0x2c: {  	s7 =	sld [smem:$0x3FB3]  }
0x2d: {  	s3 =	simm.s32 $0x108;
	s8 =	sld [smem:$0x3FB4]  }
0x2e: {  	s3 =	simm.s32 @!p0 $0x1082;
	s9 =	sld [smem:$0x3FB5]  }
0x2f: {  	lr =	sadd.s32 s0, s3;
	s0 =	sld [smem:$0x3FAC]  }
0x30: {  	s3 =	sld [smem:$0x3FAF]  }
0x31: {  	[smem:$0x3FB8] =	sst s10  }
0x32: {  	s10 =	sld [smem:$0x3FB6];
	_ =	sdelay $0x3  }
0x33: {  	p0 =	seq.s32 s10, $0x1;
	s10 =	sld [smem:$0x3FB8];
	_ =	sdelay $0x3  }
0x34: {  	[smem:$0x3FB8] =	sst s10  }
0x35: {  	s10 =	sld [smem:$0x3FB7];
	_ =	sdelay $0x3  }
0x36: {  	p1 =	seq.s32 s10, $0x1;
	s10 =	sld [smem:$0x3FB8];
	_ =	sdelay $0x3  }
0x37: {  	[smem:$0x3FB8] =	sst s10  }
0x38: {  	s10 =	sld [smem:$0x3FB9]  }
0x39: {  	_ = 	snop;
	(pc) =	sbr.ind lr, $3  }
0x3a: {  	_ = 	snop  }
0x3b: {  	_ = 	snop  }
0x3c: {  	p2 =	seq.s32 s10, $0x1;
	s10 =	sld [smem:$0x3FB8]  }
0x3d: {  	_ =	shalt  }
0x3e: {  	_ =	shalt  }
0x3f: {  	_ =	shalt  }
0x40: {  	_ =	shalt  }
0x41: {  	_ =	shalt  }
0x42: {  	_ =	shalt  }
0x43: {  	_ =	shalt  }
0x44: {  	_ =	shalt  }
0x45: {  	_ =	shalt  }
0x46: {  	_ =	shalt  }
0x47: {  	_ =	shalt  }
0x48: {  	_ =	shalt  }
0x49: {  	_ =	shalt  }
0x4a: {  	_ =	shalt  }
0x4b: {  	_ =	shalt  }
0x4c: {  	_ =	shalt  }
0x4d: {  	_ =	shalt  }
0x4e: {  	_ =	shalt  }
0x4f: {  	_ =	shalt  }
0x50: {  	_ =	shalt  }
0x51: {  	_ =	shalt  }
0x52: {  	_ =	shalt  }
0x53: {  	_ =	shalt  }
0x54: {  	_ =	shalt  }
0x55: {  	_ =	shalt  }
0x56: {  	_ =	shalt  }
0x57: {  	_ =	shalt  }
0x58: {  	_ =	shalt  }
0x59: {  	_ =	shalt  }
0x5a: {  	_ =	shalt  }
0x5b: {  	_ =	shalt  }
0x5c: {  	_ =	shalt  }
0x5d: {  	_ =	shalt  }
0x5e: {  	_ =	shalt  }
0x5f: {  	_ =	shalt  }
0x60: {  	_ =	shalt  }
0x61: {  	_ =	shalt  }
0x62: {  	_ =	shalt  }
0x63: {  	_ =	shalt  }
0x64: {  	_ =	shalt  }
0x65: {  	_ =	shalt  }
0x66: {  	_ =	shalt  }
0x67: {  	_ =	shalt  }
0x68: {  	_ =	shalt  }
0x69: {  	_ =	shalt  }
0x6a: {  	_ =	shalt  }
0x6b: {  	_ =	shalt  }
0x6c: {  	_ =	shalt  }
0x6d: {  	_ =	shalt  }
0x6e: {  	_ =	shalt  }
0x6f: {  	_ =	shalt  }
0x70: {  	_ =	shalt  }
0x71: {  	_ =	shalt  }
0x72: {  	_ =	shalt  }
0x73: {  	_ =	shalt  }
0x74: {  	_ =	shalt  }
0x75: {  	_ =	shalt  }
0x76: {  	_ =	shalt  }
0x77: {  	_ =	shalt  }
0x78: {  	_ =	shalt  }
0x79: {  	_ =	shalt  }
0x7a: {  	_ =	shalt  }
0x7b: {  	_ =	shalt  }
0x7c: {  	_ =	shalt  }
0x7d: {  	_ =	shalt  }
0x7e: {  	_ =	shalt  }
0x7f: {  	_ =	shalt  }
0x80: {  	_ =	shalt  }
0x81: {  	_ =	shalt  }
0x82: {  	_ =	shalt  }
0x83: {  	_ =	shalt  }
0x84: {  	_ =	shalt  }
0x85: {  	_ =	shalt  }
0x86: {  	_ =	shalt  }
0x87: {  	_ =	shalt  }
.Lfunc_end0:
.L_simem_size_0:
called_computation_lowered:
.L_overlay_start_0:
0x88: {  	s2 =	sld [smem:$0x3FD9]  }
0x89: {  	s3 =	sld [smem:$0x3FFE];
	_ =	sdelay $0x1  }
0x8a: {  	s1 =	srdreg.scid  }
0x8b: {  	s0 =	sand.u32 $0x1, s1  }
0x8c: {  	s14 =	sshll.u32 s0, $0xA;
	s2 =	sadd.s32 s3, s2  }
0x8d: {  	s2 =	sadd.s32 s2, s14  }
0x8e: {  	[smem:$0x3FC4] =	sst s2  }
0x8f: {  	_ = 	snop  }
0x90: {  	s2 =	sld [smem:$0x3FD0];
	_ =	sdelay $0x1  }
0x91: {  	s15 =	sld [smem:$0x3FC7]  }
0x92: {  	s5 =	simm.s32 $0xA;
	s6 =	simm.s32 $0x10;
	s4 =	sld [smem:$0x3FC6]  }
0x93: {  	[smem:s6], [sflag:s5] =	dma.local [hbm:s2], $0x1  }
0x94: {  	_ =	swait.eq [sflag:s5], $0x1  }
0x95: {  	[sflag:s5] =	ssyncset.done $0x0  }
0x96: {  	s16 =	sld [smem:$0x10];
	[sflag:s5] =	ssyncadd.s32 $0xFFFFFFFF  }
0x97: {  	s17 =	sld [smem:$0x11];
	(tm) =	ssettm $0x1  }
0x98: {  	s18 =	sld [smem:$0x3FFB];
	_ =	sdelay $0x3  }
0x99: {  	_ =	strace s18  }
0x9a: {  	s6 =	sld [smem:$0x3FFC];
	_ =	sdelay $0x3  }
0x9b: {  	_ =	strace s6  }
0x9c: {  	s6 =	sld [smem:$0x3FFD];
	_ =	sdelay $0x3  }
0x9d: {  	_ =	strace s6  }
0x9e: {  	_ =	strace $0x8FFFFFFF  }
0x9f: {  	s19 =	sld [smem:$0x3FDB];
	_ =	sdelay $0x1  }
0xa0: {  	s7 =	simm.s32 $_scs_section_size  }
0xa1: {  	s8 =	simm.s32 $_size__tile_overlayer_lowered;
	s9 =	simm.s32 $_tile_overlayer_lowered  }
0xa2: {  	s22 =	simm.s32 $0x1BFF;
	s21 =	sshll.u32 s9, $0x1;
	s6 =	sadd.s32 s7, s19  }
0xa3: {  	s10 =	simm.s32 $0x0;
	s20 =	sshll.u32 s8, $0x1;
	s8 =	sadd.s32 s21, s6  }
0xa4: {  	[timem:s10], [sflag:s22] =	dma.local [hbm:s8], s20  }
0xa5: {  	_ =	swait.ge [sflag:s22], s20  }
0xa6: {  	s7 =	ssub.s32 $0x0, s20;
	[sflag:s22] =	ssyncset.done $0x0  }
0xa7: {  	[sflag:s22] =	ssyncadd.s32 s7;
	_ =	sdelay $0x1  }
0xa8: {  	s23 =	simm.s32 $0x1B8B  }
0xa9: {  	_ =	swait.ge [sflag:s23], $0x1  }
0xaa: {  	[sflag:s23] =	ssyncset.done $0x0  }
0xab: {  	s25 =	simm.s32 $0x1B8E;
	s24 =	sld [smem:$0x3FFE];
	[sflag:s23] =	ssyncadd.s32 $0xFFFFFFFF  }
0xac: {  	s26 =	simm.s32 $execute0_lowered;
	[smem:$0x3FD2] =	sst s25  }
0xad: {  	s8 =	sshll.u32 s26, $0x1;
	_ =	strace $0x80000046;
	[dreg:$0x1] =	wrdreg $0xFFFFFFFF  }
0xae: {  	s28 =	simm.s32 $_size_execute0_lowered;
	s6 =	sadd.s32 s6, s8;
	[dreg:$0x0] =	wrdreg $0x0  }
0xaf: {  	s8 =	sshll.u32 s28, $0x1;
	[dreg:$0x2] =	wrdreg s6  }
0xb0: {  	[dreg:$0x3] =	wrdreg s8  }
0xb1: {  	[dreg:$0x4] =	wrdreg $0xC0  }
0xb2: {  	_ =	task [dreg:s10], $0x5FFFF  }
0xb3: {  	[dreg:$0x1] =	wrdreg $0xFFFFFFFF  }
0xb4: {  	[dreg:$0x0] =	wrdreg $0x60  }
0xb5: {  	[dreg:$0x2] =	wrdreg s24  }
0xb6: {  	[dreg:$0x3] =	wrdreg s15  }
0xb7: {  	[dreg:$0x4] =	wrdreg s4  }
0xb8: {  	[dreg:$0x5] =	wrdreg s16  }
0xb9: {  	[dreg:$0x6] =	wrdreg s17  }
0xba: {  	[dreg:$0x7] =	wrdreg $0x9  }
0xbb: {  	_ =	task.clear_ibuf [dreg:s10], $0x8FFFF;
	_ =	strace $0x90000046  }
0xbc: {  	s29 =	simm.s32 $0x9;
	_ =	strace $0x80000048  }
0xbd: {  	_ =	swait.ge [sflag:s29], $0x1  }
0xbe: {  	[sflag:s29] =	ssyncadd.s32 $0xFFFFFFFF  }
0xbf: {  	_ =	strace $0x90000048  }
0xc0: {  	_ =	sfence  }
0xc1: {  	s30 =	sld [smem:$0x0];
	_ =	sdelay $0x2  }
0xc2: {  	s31 =	sshll.u32 s1, $0xD;
	s1 =	sshrl.u32 s1, $0x2  }
0xc3: {  	s3 =	sand.u32 $0x4000, s31;
	s1 =	sadd.s32 s1, s30  }
0xc4: {  	s0 =	sor.u32 s3, s0;
	s1 =	sshll.u32 s1, $0x11  }
0xc5: {  	s0 =	sor.u32 s1, s0  }
0xc6: {  	s0 =	sadd.s32 $0x8F2B, s0  }
0xc7: {  	[sflag:s0] =	ssyncadd.remote.s32 $0x1  }
0xc8: {  	_ =	sfence.sel $0xFFFF  }
0xc9: {  	[dreg:$0x0] =	wrdreg $0xFFFFFFFF;
	(pc) =	sbr.abs _section_cstart, $3  }
0xca: {  	[dreg:$0x1] =	wrdreg $0xFFFFFFFF  }
0xcb: {  	_ =	task.clear_ibuf [dreg:s10], $0x2FFFF;
	_ =	strace $0x9FFFFFFF  }
0xcc: {  	(tm) =	ssettm $0x7FFFFFFF  }
0xcd: {  	_ =	shalt  }
tec
execute0_lowered:
.L_overlay_start_1:
0x0: {  	(tag) =	ssettag $0x1  }
0x1: {  	s0 =	rddreg [dreg:$0x0]  }
0x2: {  	s1 =	srdreg.scid;
	s4 =	rddreg [dreg:$0x3]  }
0x3: {  	s2 =	stileid.u32;
	s5 =	rddreg [dreg:$0x4];
	s6 =	simm.s32 $0x0  }
0x4: {  	s13 =	simm.s32 $0xC800;
	s14 =	simm.s32 $0xCD00;
	s15 =	simm.s32 $0x5  }
0x5: {  	s16 =	simm.s32 $0x4000;
	s17 =	simm.s32 $0x4800;
	s18 =	simm.s32 $0x1  }
0x6: {  	s19 =	simm.s32 $0x2;
	s1 =	sand.u32 $0x1, s1;
	s2 =	sshll.u32 s2, $0x1  }
0x7: {  	s20 =	simm.s32 $0x16980;
	s21 =	simm.s32 $0x3;
	s2 =	sor.u32 s1, s2  }
0x8: {  	s22 =	simm.s32 $0x4;
	s23 =	simm.s32 $0x0;
	s3 =	smul.u32 $0x13, s2  }
0x9: {  	[smem:$0x7FF] =	sst s6;
	s1 =	ssub.s32 $0x2, s1;
	s7 =	smin.u32 s2, $0x11  }
0xa: {  	_ =	strace $0x80000047;
	s9 =	sshrl.u32 s1, $0x1;
	s7 =	sadd.s32 s7, s3  }
0xb: {  	s29 =	smul.u32 $0x1388, s2;
	s1 =	ssub.s32 s1, s9;
	s8 =	sshll.u32 s7, $0x3  }
0xc: {  	p0 =	slt.u32 s2, $0x11;
	s31 =	smax.u32 s1, $0x1;
	s10 =	sadd.s32 s8, s0  }
0xd: {  	v1 =	vlaneseq.u32;
	[dreg:$0x8] =	wrdreg s31;
	s0 =	sadd.s32 s29, s0;
	s30 =	sadd.s32 $0x27C00, s10  }
0xe: {  	v0 =	vmul.u32 $0x80, v1;
	s9 =	simm.s32 $0x14;
	s0 =	sadd.s32 $0xA00, s0;
	[dreg:$0x6] =	wrdreg s30  }
0xf: {  	v1 =	vmul.u32 $0x4, v1;
	s9 =	simm.s32 @!p0 $0x13;
	s8 =	smul.u32 $0x2710, s2;
	[dreg:$0x7] =	wrdreg s0  }
.LBB2_1:
0x10: {  	s0 =	rddreg [dreg:$0x6]  }
0x11: {  	[tilespmem:s13], [sflag:$0x1] =	stream.linear.gather [hbm4b:s0+s6], $0x500, $0x38;
	[tilespmem:$0x1B980] =	vst v63  }
0x12: {  	s29 =	rddreg [dreg:$0x7]  }
0x13: {  	[tilespmem:s14], [sflag:$0x2] =	stream.linear.gather [hbm4b:s29+s6], $0x9C40, $0x38;
	[tilespmem:$0x1B980] =	vst v63  }
0x14: {  	s30 =	rddreg [dreg:$0x1]  }
0x15: {  	[tilespmem:s6], [sflag:$0x5] =	stream.linear.gather [hbm4b:s30+s6], $0x4000, $0x38;
	[tilespmem:$0x1B980] =	vst v63  }
0x16: {  	_ =	swait.ge [sflag:s15], $0x4000  }
0x17: {  	[sflag:s15] =	ssyncset.done $0x0  }
0x18: {  	[sflag:s15] =	ssyncadd.s32 $0xFFFFC000  }
0x19: {  	s31 =	rddreg [dreg:$0x2]  }
0x1a: {  	[tilespmem:s16], [sflag:$0x5] =	stream.linear.gather [hbm4b:s31+s6], $0x800, $0x38;
	[tilespmem:$0x1B980] =	vst v63  }
0x1b: {  	_ =	swait.ge [sflag:s15], $0x800  }
0x1c: {  	[sflag:s15] =	ssyncset.done $0x0  }
0x1d: {  	s24 =	simm.s32 $0x0;
	[sflag:s15] =	ssyncadd.s32 $0xFFFFF800  }
.LBB2_2:
0x1e: {  	s0 =	sshll.u32 s24, $0x4;
	s3 =	simm.s32 $0x0  }
0x1f: {  	s25 =	simm.s32 $0x7;
	v3 =	vmov s0;
	v5 =	vor.u32 s3, v0  }
0x20: {  	v7 =	vor.u32 s25, v0;
	v2 =	vshll.u32 v3, $0x3  }
0x21: {  	v4 =	vor.u32 s3, v2  }
0x22: {  	s26 =	simm.s32 $0x6;
	v6 =	vor.u32 s25, v2  }
0x23: {  	v9 =	vor.u32 s26, v2  }
0x24: {  	s0 =	simm.s32 $0x5;
	v10 =	vor.u32 s26, v0;
	v5 =	vld.idx.msk [tilespmem:v5+s16+$0x0], $0xffff  }
0x25: {  	v11 =	vor.u32 s0, v2;
	v8 =	vld.idx.msk [tilespmem:v7+s16+$0x0], $0xffff  }
0x26: {  	s1 =	simm.s32 $0x4;
	v12 =	vor.u32 s0, v0;
	v4 =	vld.idx.msk [tilespmem:v4+s16+$0x0], $0xffff  }
0x27: {  	v13 =	vor.u32 s1, v2;
	v6 =	vld.idx.msk [tilespmem:v6+s16+$0x0], $0xffff  }
0x28: {  	s2 =	simm.s32 $0x3;
	v19 =	vor.u32 s1, v0;
	v7 =	vld.idx.msk [tilespmem:v9+s16+$0x0], $0xffff  }
0x29: {  	v15 =	vor.u32 s2, v2;
	v9 =	vld.idx.msk [tilespmem:v10+s16+$0x0], $0xffff  }
0x2a: {  	s28 =	simm.s32 $0x2;
	v16 =	vor.u32 s2, v0;
	v10 =	vld.idx.msk [tilespmem:v11+s16+$0x0], $0xffff  }
0x2b: {  	v18 =	vor.u32 s28, v2;
	v11 =	vld.idx.msk [tilespmem:v12+s16+$0x0], $0xffff  }
0x2c: {  	s11 =	simm.s32 $0x1;
	v17 =	vor.u32 s28, v0;
	v3 =	vshll.u32 v3, $0x7;
	v12 =	vld.idx.msk [tilespmem:v13+s16+$0x0], $0xffff  }
0x2d: {  	s10 =	simm.s32 $0x8;
	v3 =	vor.u32 v0, v3;
	v14 =	vor.u32 s11, v2;
	v13 =	vld.idx.msk [tilespmem:v19+s16+$0x0], $0xffff  }
.LBB2_3:
0x2e: {  	p0 =	slt.u32 s10, $0x78;
	v19 =	vor.u32 s11, v0;
	v15 =	vld.idx.msk [tilespmem:v15+s16+$0x0], $0xffff  }
0x2f: {  	v20 =	vor.u32 s10, v2;
	v21 =	vor.u32 s3, v3;
	s3 =	smov.u32 s10;
	v16 =	vld.idx.msk [tilespmem:v16+s16+$0x0], $0xffff  }
0x30: {  	v22 =	vor.u32 s10, v0;
	v23 =	vor.u32 s25, v3;
	s25 =	sadd.s32 $0x7, s10;
	v18 =	vld.idx.msk [tilespmem:v18+s16+$0x0], $0xffff  }
0x31: {  	v25 =	vor.u32 s26, v3;
	v24 =	vor.u32 s25, v2;
	v17 =	vld.idx.msk [tilespmem:v17+s16+$0x0], $0xffff  }
0x32: {  	s26 =	sadd.s32 $0x6, s10;
	v5 =	vadd.f32 v5, v4;
	v27 =	vor.u32 s0, v3;
	v26 =	vor.u32 s25, v0;
	v14 =	vld.idx.msk [tilespmem:v14+s16+$0x0], $0xffff  }
0x33: {  	v29 =	vor.u32 s1, v3;
	v6 =	vadd.f32 v8, v6;
	v28 =	vor.u32 s26, v2;
	v19 =	vld.idx.msk [tilespmem:v19+s16+$0x0], $0xffff  }
0x34: {  	s0 =	sadd.s32 $0x5, s10;
	v7 =	vadd.f32 v9, v7;
	v4 =	vld.idx.msk [tilespmem:v20+s16+$0x0], $0xffff;
	v20 =	vor.u32 s26, v0;
	[tilespmem:v21+s17+$0x0] =	vst.idx.msk $0xffff, v5;
	v21 =	vor.u32 s2, v3  }
0x35: {  	v30 =	vor.u32 s28, v3;
	v9 =	vadd.f32 v11, v10;
	v5 =	vld.idx.msk [tilespmem:v22+s16+$0x0], $0xffff;
	v22 =	vor.u32 s0, v2;
	[tilespmem:v23+s17+$0x0] =	vst.idx.msk $0xffff, v6  }
0x36: {  	s1 =	sadd.s32 $0x4, s10;
	v11 =	vor.u32 s0, v0;
	v10 =	vadd.f32 v13, v12;
	v23 =	vor.u32 s11, v3;
	v6 =	vld.idx.msk [tilespmem:v24+s16+$0x0], $0xffff;
	[tilespmem:v25+s17+$0x0] =	vst.idx.msk $0xffff, v7  }
0x37: {  	v12 =	vor.u32 s1, v2;
	v13 =	vadd.f32 v16, v15;
	v8 =	vld.idx.msk [tilespmem:v26+s16+$0x0], $0xffff;
	[tilespmem:v27+s17+$0x0] =	vst.idx.msk $0xffff, v9  }
0x38: {  	s2 =	sadd.s32 $0x3, s10;
	v24 =	vor.u32 s1, v0;
	v17 =	vadd.f32 v17, v18;
	v7 =	vld.idx.msk [tilespmem:v28+s16+$0x0], $0xffff;
	[tilespmem:v29+s17+$0x0] =	vst.idx.msk $0xffff, v10  }
.Ltmp0:
0x39: {  	v15 =	vor.u32 s2, v2;
	v14 =	vadd.f32 v19, v14;
	v9 =	vld.idx.msk [tilespmem:v20+s16+$0x0], $0xffff;
	[tilespmem:v21+s17+$0x0] =	vst.idx.msk $0xffff, v13;
	(pc) =	sbr.rel @p0 .LBB2_3-.Ltmp0, $4  }
0x3a: {  	s28 =	sadd.s32 $0x2, s10;
	v16 =	vor.u32 s2, v0;
	v10 =	vld.idx.msk [tilespmem:v22+s16+$0x0], $0xffff;
	[tilespmem:v30+s17+$0x0] =	vst.idx.msk $0xffff, v17  }
0x3b: {  	v18 =	vor.u32 s28, v2;
	v11 =	vld.idx.msk [tilespmem:v11+s16+$0x0], $0xffff;
	[tilespmem:v23+s17+$0x0] =	vst.idx.msk $0xffff, v14  }
0x3c: {  	s11 =	sadd.s32 $0x1, s10;
	v17 =	vor.u32 s28, v0;
	v12 =	vld.idx.msk [tilespmem:v12+s16+$0x0], $0xffff  }
0x3d: {  	s10 =	sadd.s32 $0x8, s10;
	v14 =	vor.u32 s11, v2;
	v13 =	vld.idx.msk [tilespmem:v24+s16+$0x0], $0xffff  }
0x3e: {  	_ =	sdelay $0x3  }
0x3f: {  	v2 =	vor.u32 s11, v0;
	v15 =	vld.idx.msk [tilespmem:v15+s16+$0x0], $0xffff;
	v19 =	vor.u32 s3, v3  }
0x40: {  	v16 =	vld.idx.msk [tilespmem:v16+s16+$0x0], $0xffff;
	v20 =	vor.u32 s25, v3  }
0x41: {  	v18 =	vld.idx.msk [tilespmem:v18+s16+$0x0], $0xffff;
	v21 =	vor.u32 s26, v3  }
0x42: {  	v17 =	vld.idx.msk [tilespmem:v17+s16+$0x0], $0xffff;
	v4 =	vadd.f32 v5, v4;
	v57 =	vor.u32 s0, v3  }
0x43: {  	v14 =	vld.idx.msk [tilespmem:v14+s16+$0x0], $0xffff;
	v22 =	vor.u32 s1, v3;
	v6 =	vadd.f32 v8, v6  }
0x44: {  	v58 =	vor.u32 s2, v3;
	v7 =	vadd.f32 v9, v7;
	v2 =	vld.idx.msk [tilespmem:v2+s16+$0x0], $0xffff;
	[tilespmem:v19+s17+$0x0] =	vst.idx.msk $0xffff, v4  }
0x45: {  	v59 =	vor.u32 s28, v3;
	s24 =	sadd.s32 $0x1, s24;
	v60 =	vadd.f32 v11, v10;
	[tilespmem:v20+s17+$0x0] =	vst.idx.msk $0xffff, v6  }
0x46: {  	v3 =	vor.u32 s11, v3;
	p0 =	sne.s32 s24, $0x10;
	v61 =	vadd.f32 v13, v12;
	[tilespmem:v21+s17+$0x0] =	vst.idx.msk $0xffff, v7  }
.Ltmp1:
0x47: {  	v62 =	vadd.f32 v16, v15;
	[tilespmem:v57+s17+$0x0] =	vst.idx.msk $0xffff, v60;
	(pc) =	sbr.rel @p0 .LBB2_2-.Ltmp1, $4  }
0x48: {  	v63 =	vadd.f32 v17, v18;
	[tilespmem:v22+s17+$0x0] =	vst.idx.msk $0xffff, v61  }
0x49: {  	[tilespmem:v58+s17+$0x0] =	vst.idx.msk $0xffff, v62;
	v2 =	vadd.f32 v2, v14  }
0x4a: {  	[tilespmem:v59+s17+$0x0] =	vst.idx.msk $0xffff, v63  }
0x4b: {  	[tilespmem:v3+s17+$0x0] =	vst.idx.msk $0xffff, v2  }
0x4c: {  	_ =	swait.ge [sflag:s18], $0x500  }
.Ltmp2:
0x4d: {  	[sflag:s18] =	ssyncset.done $0x0;
	(pc) =	sbr.rel .LBB2_6-.Ltmp2, $4  }
0x4e: {  	[sflag:s18] =	ssyncadd.s32 $0xFFFFFB00  }
0x4f: {  	_ =	swait.ge [sflag:s19], $0x9C40  }
0x50: {  	[sflag:s19] =	ssyncset.done $0x0  }
0x51: {  	s24 =	simm.s32 $0x0;
	[sflag:s19] =	ssyncadd.s32 $0xFFFF63C0  }
.LBB2_10:
0x52: {  	s24 =	sadd.s32 $0x1, s24  }
0x53: {  	p0 =	sne.s32 s24, $0x14  }
.Ltmp3:
0x54: {  	_ = 	snop;
	(pc) =	sbr.rel @!p0 .LBB2_11-.Ltmp3, $1  }
0x55: {  	_ =	sdelay $0x3  }
.LBB2_6:
0x56: {  	p0 =	sge.u32 s24, s9  }
.Ltmp4:
0x57: {  	_ = 	snop;
	(pc) =	sbr.rel @p0 .LBB2_10-.Ltmp4, $1  }
0x58: {  	_ =	sdelay $0x3  }
0x59: {  	s25 =	sand.u32 $0x1, s24;
	p1 =	slt.u32 s24, $0x2  }
0x5a: {  	p0 =	sne.s32 @!p1 s25, $0x0  }
0x5b: {  	s0 =	sshll.u32 s24, $0x4;
	p2 =	por p0, p1  }
0x5c: {  	v2 =	vmov s0;
	s1 =	simm.s32 @!p2 $0x3  }
0x5d: {  	p0 =	seq.s32 s25, $0x1;
	v2 =	vshll.u32 v2, $0x2;
	_ =	swait.ge @!p2 [sflag:s1], $0x800  }
0x5e: {  	p1 =	por !p0, p1;
	v2 =	vor.u32 v1, v2;
	[sflag:s1] =	ssyncset.done @!p2 $0x0  }
0x5f: {  	s0 =	simm.s32 @!p1 $0x4;
	v3 =	vor.u32 $0x3, v2;
	[sflag:s1] =	ssyncadd.s32 @!p2 $0xFFFFF800  }
0x60: {  	v4 =	vor.u32 $0x1, v2;
	_ =	swait.ge @!p1 [sflag:s0], $0x800  }
0x61: {  	[sflag:s0] =	ssyncset.done @!p1 $0x0  }
0x62: {  	[sflag:s0] =	ssyncadd.s32 @!p1 $0xFFFFF800  }
0x63: {  	v6 =	vor.u32 $0x2, v2;
	v5 =	vld.idx.msk [tilespmem:v2+s13+$0x0], $0xffff  }
0x64: {  	v3 =	vld.idx.msk [tilespmem:v3+s13+$0x0], $0xffff  }
0x65: {  	v4 =	vld.idx.msk [tilespmem:v4+s13+$0x0], $0xffff;
	_ =	sdelay $0x2  }
0x66: {  	s30 =	simm.s32 $0x0;
	v6 =	vld.idx.msk [tilespmem:v6+s13+$0x0], $0xffff;
	v2 =	vshll.u32 v5, $0x7  }
0x67: {  	s31 =	simm.s32 $0x6;
	v3 =	vshll.u32 v3, $0x7;
	v8 =	vor.u32 s30, v2  }
0x68: {  	v5 =	vshll.u32 v4, $0x7;
	v4 =	vor.u32 s31, v3  }
0x69: {  	v9 =	vor.u32 s30, v5  }
0x6a: {  	s3 =	simm.s32 $0x2;
	v10 =	vor.u32 s30, v3  }
0x6b: {  	v7 =	vshll.u32 v6, $0x7;
	v11 =	vor.u32 s3, v2  }
0x6c: {  	s11 =	simm.s32 $0x4;
	v13 =	vor.u32 s3, v7;
	v12 =	vld.idx.msk [tilespmem:v8+s6+$0x0], $0xffff  }
0x6d: {  	v15 =	vor.u32 s11, v3;
	v4 =	vld.idx.msk [tilespmem:v4+s6+$0x0], $0xffff  }
0x6e: {  	s12 =	simm.s32 $0x1;
	v17 =	vor.u32 s11, v7;
	v14 =	vld.idx.msk [tilespmem:v9+s6+$0x0], $0xffff  }
0x6f: {  	s28 =	simm.s32 $0x3;
	v18 =	vor.u32 s12, v2;
	v6 =	vld.idx.msk [tilespmem:v10+s6+$0x0], $0xffff  }
0x70: {  	v20 =	vor.u32 s28, v5;
	v16 =	vld.idx.msk [tilespmem:v11+s6+$0x0], $0xffff  }
0x71: {  	v21 =	vor.u32 s12, v7;
	v13 =	vld.idx.msk [tilespmem:v13+s6+$0x0], $0xffff  }
0x72: {  	s10 =	simm.s32 $0x5;
	v9 =	vor.u32 s11, v5;
	v15 =	vld.idx.msk [tilespmem:v15+s6+$0x0], $0xffff  }
0x73: {  	v10 =	vor.u32 s10, v2;
	v17 =	vld.idx.msk [tilespmem:v17+s6+$0x0], $0xffff  }
0x74: {  	v23 =	vor.u32 s28, v7;
	v18 =	vld.idx.msk [tilespmem:v18+s6+$0x0], $0xffff  }
0x75: {  	v11 =	vor.u32 s11, v2;
	v20 =	vld.idx.msk [tilespmem:v20+s6+$0x0], $0xffff  }
0x76: {  	v27 =	vor.u32 s10, v5;
	v28 =	vld.idx.msk [tilespmem:v21+s6+$0x0], $0xffff  }
0x77: {  	v19 =	vld.idx.msk [tilespmem:v9+s6+$0x0], $0xffff;
	v9 =	vor.u32 s3, v5  }
0x78: {  	v29 =	vld.idx.msk [tilespmem:v10+s6+$0x0], $0xffff;
	v10 =	vor.u32 s12, v5  }
0x79: {  	s2 =	simm.s32 $0x7;
	v22 =	vor.u32 s28, v2;
	v36 =	vld.idx.msk [tilespmem:v23+s6+$0x0], $0xffff  }
0x7a: {  	v8 =	vor.u32 s2, v5;
	v11 =	vld.idx.msk [tilespmem:v11+s6+$0x0], $0xffff  }
0x7b: {  	v23 =	vor.u32 s31, v5;
	v37 =	vld.idx.msk [tilespmem:v27+s6+$0x0], $0xffff  }
0x7c: {  	v26 =	vor.u32 s28, v3;
	v24 =	vld.idx.msk [tilespmem:v9+s6+$0x0], $0xffff  }
0x7d: {  	s26 =	smul.u32 $0x2800, s25;
	v30 =	vor.u32 s31, v2;
	v35 =	vor.u32 s10, v7;
	v32 =	vor.u32 s2, v3;
	v25 =	vld.idx.msk [tilespmem:v10+s6+$0x0], $0xffff  }
0x7e: {  	v38 =	vor.u32 s2, v2;
	v33 =	vor.u32 s10, v3;
	v31 =	vor.u32 s31, v7;
	v22 =	vld.idx.msk [tilespmem:v22+s6+$0x0], $0xffff  }
0x7f: {  	v21 =	vor.u32 s3, v3;
	v8 =	vld.idx.msk [tilespmem:v8+s6+$0x0], $0xffff;
	v9 =	vor.u32 s26, v0;
	v19 =	vadd.f32 v19, v11  }
0x80: {  	v27 =	vld.idx.msk [tilespmem:v23+s6+$0x0], $0xffff;
	v10 =	vor.u32 s30, v7;
	v11 =	vadd.f32 v14, v12;
	v34 =	vor.u32 s11, v9  }
0x81: {  	v12 =	vor.u32 s2, v7;
	v29 =	vadd.f32 v37, v29;
	v14 =	vadd.f32 v17, v19;
	v19 =	vld.idx.msk [tilespmem:v26+s6+$0x0], $0xffff  }
0x82: {  	v23 =	vor.u32 s10, v9;
	v26 =	vld.idx.msk [tilespmem:v30+s6+$0x0], $0xffff;
	v16 =	vadd.f32 v24, v16;
	v18 =	vadd.f32 v25, v18  }
0x83: {  	v17 =	vor.u32 s31, v9;
	v30 =	vld.idx.msk [tilespmem:v35+s6+$0x0], $0xffff;
	v24 =	vadd.f32 v15, v14;
	v25 =	vadd.f32 v20, v22  }
0x84: {  	v15 =	vld.idx.msk [tilespmem:v21+s6+$0x0], $0xffff;
	v21 =	vor.u32 s12, v9;
	v20 =	vor.u32 s2, v9;
	v14 =	vadd.f32 v13, v16  }
0x85: {  	v22 =	vld.idx.msk [tilespmem:v32+s6+$0x0], $0xffff;
	v13 =	vor.u32 s30, v9;
	v16 =	vor.u32 s3, v9;
	[tilespmem:v34+s20+$0x0] =	vst.idx.msk $0xffff, v24;
	v24 =	vadd.f32 v28, v18  }
0x86: {  	s1 =	simm.s32 $0x8;
	v32 =	vld.idx.msk [tilespmem:v38+s6+$0x0], $0xffff;
	v34 =	vor.u32 s12, v3;
	v28 =	vadd.f32 v36, v25;
	v25 =	vor.u32 s28, v9  }
.LBB2_8:
0x87: {  	s10 =	sadd.s32 $0x4, s1  }
0x88: {  	v35 =	vor.u32 s1, v2;
	v36 =	vor.u32 s1, v7;
	v37 =	vor.u32 s1, v3;
	s28 =	sadd.s32 $0x5, s1;
	s31 =	sadd.s32 $0x6, s1;
	v33 =	vld.idx.msk [tilespmem:v33+s6+$0x0], $0xffff;
	s0 =	smov.u32 s1  }
0x89: {  	s29 =	sadd.s32 $0x8, s1;
	v38 =	vor.u32 s0, v5;
	s30 =	sadd.s32 $0x1, s0;
	v18 =	vor.u32 s28, v7;
	v39 =	vor.u32 s31, v3;
	s3 =	sadd.s32 $0x7, s0;
	v31 =	vld.idx.msk [tilespmem:v31+s6+$0x0], $0xffff  }
0x8a: {  	p1 =	slt.u32 s1, $0x78;
	v41 =	vor.u32 s10, v7;
	v40 =	vor.u32 s30, v2;
	v42 =	vld.idx.msk [tilespmem:v12+s6+$0x0], $0xffff;
	v12 =	vor.u32 s3, v7  }
0x8b: {  	s1 =	sadd.s32 $0x2, s0;
	v44 =	vor.u32 s10, v3;
	v26 =	vadd.f32 v27, v26;
	v43 =	vor.u32 s30, v5;
	v34 =	vld.idx.msk [tilespmem:v34+s6+$0x0], $0xffff  }
0x8c: {  	v27 =	vor.u32 s1, v2;
	v45 =	vor.u32 s1, v7;
	v8 =	vadd.f32 v8, v32;
	v46 =	vld.idx.msk [tilespmem:v10+s6+$0x0], $0xffff;
	v10 =	vmovc v36  }
0x8d: {  	s2 =	sadd.s32 $0x3, s0;
	v47 =	vor.u32 s3, v5;
	v36 =	vor.u32 s10, v2;
	v32 =	vld.idx.msk [tilespmem:v35+s6+$0x0], $0xffff;
	v35 =	vor.u32 s1, v5  }
0x8e: {  	v48 =	vor.u32 s2, v2;
	v49 =	vor.u32 s2, v7;
	v29 =	vadd.f32 v30, v29;
	v39 =	vld.idx.msk [tilespmem:v39+s6+$0x0], $0xffff  }
0x8f: {  	v50 =	vor.u32 s10, v5;
	v19 =	vadd.f32 v19, v28;
	v30 =	vld.idx.msk [tilespmem:v38+s6+$0x0], $0xffff;
	v38 =	vor.u32 s2, v5  }
0x90: {  	v29 =	vadd.f32 v33, v29;
	v33 =	vadd.f32 v42, v8;
	v28 =	vld.idx.msk [tilespmem:v37+s6+$0x0], $0xffff;
	v37 =	vor.u32 s28, v2  }
0x91: {  	v24 =	vadd.f32 v34, v24;
	v27 =	vld.idx.msk [tilespmem:v27+s6+$0x0], $0xffff;
	[tilespmem:v25+s20+$0x0] =	vst.idx.msk $0xffff, v19;
	v19 =	vadd.f32 v31, v26  }
0x92: {  	v11 =	vadd.f32 v46, v11;
	v22 =	vadd.f32 v22, v33;
	v8 =	vld.idx.msk [tilespmem:v47+s6+$0x0], $0xffff;
	[tilespmem:v23+s20+$0x0] =	vst.idx.msk $0xffff, v29  }
0x93: {  	v14 =	vadd.f32 v15, v14;
	v23 =	vld.idx.msk [tilespmem:v45+s6+$0x0], $0xffff;
	[tilespmem:v21+s20+$0x0] =	vst.idx.msk $0xffff, v24;
	v15 =	vadd.f32 v4, v19  }
0x94: {  	v21 =	vadd.f32 v6, v11;
	v4 =	vmov v39;
	v19 =	vld.idx.msk [tilespmem:v50+s6+$0x0], $0xffff;
	[tilespmem:v20+s20+$0x0] =	vst.idx.msk $0xffff, v22  }
0x95: {  	v11 =	vadd.f32 v30, v32;
	v29 =	vld.idx.msk [tilespmem:v37+s6+$0x0], $0xffff;
	[tilespmem:v17+s20+$0x0] =	vst.idx.msk $0xffff, v15  }
0x96: {  	v6 =	vmov v28;
	v15 =	vld.idx.msk [tilespmem:v44+s6+$0x0], $0xffff;
	[tilespmem:v13+s20+$0x0] =	vst.idx.msk $0xffff, v21  }
0x97: {  	v13 =	vld.idx.msk [tilespmem:v36+s6+$0x0], $0xffff;
	[tilespmem:v16+s20+$0x0] =	vst.idx.msk $0xffff, v14  }
0x98: {  	v14 =	vor.u32 s30, v7;
	v16 =	vld.idx.msk [tilespmem:v41+s6+$0x0], $0xffff  }
0x99: {  	v17 =	vld.idx.msk [tilespmem:v40+s6+$0x0], $0xffff  }
0x9a: {  	v20 =	vld.idx.msk [tilespmem:v35+s6+$0x0], $0xffff  }
0x9b: {  	v22 =	vor.u32 s2, v3;
	v21 =	vld.idx.msk [tilespmem:v43+s6+$0x0], $0xffff  }
0x9c: {  	v25 =	vor.u32 s28, v5;
	v24 =	vld.idx.msk [tilespmem:v38+s6+$0x0], $0xffff  }
0x9d: {  	v26 =	vor.u32 s1, v3;
	v13 =	vadd.f32 v19, v13;
	v28 =	vld.idx.msk [tilespmem:v14+s6+$0x0], $0xffff  }
0x9e: {  	v31 =	vor.u32 s10, v9;
	v32 =	vor.u32 s31, v2;
	v30 =	vld.idx.msk [tilespmem:v48+s6+$0x0], $0xffff  }
0x9f: {  	v13 =	vadd.f32 v16, v13;
	v16 =	vor.u32 s31, v5;
	v35 =	vld.idx.msk [tilespmem:v49+s6+$0x0], $0xffff  }
0xa0: {  	v14 =	vadd.f32 v20, v27;
	v20 =	vor.u32 s3, v3;
	v19 =	vld.idx.msk [tilespmem:v22+s6+$0x0], $0xffff  }
0xa1: {  	v34 =	vadd.f32 v21, v17;
	v17 =	vadd.f32 v15, v13;
	v36 =	vld.idx.msk [tilespmem:v25+s6+$0x0], $0xffff;
	v25 =	vor.u32 s3, v2  }
0xa2: {  	v14 =	vadd.f32 v23, v14;
	v15 =	vld.idx.msk [tilespmem:v26+s6+$0x0], $0xffff  }
.Ltmp5:
0xa3: {  	v33 =	vor.u32 s28, v3;
	v13 =	vor.u32 s0, v9;
	[tilespmem:v31+s20+$0x0] =	vst.idx.msk $0xffff, v17;
	v26 =	vld.idx.msk [tilespmem:v32+s6+$0x0], $0xffff;
	(pc) =	sbr.rel @p1 .LBB2_8-.Ltmp5, $4  }
0xa4: {  	v30 =	vadd.f32 v24, v30;
	v31 =	vor.u32 s31, v7;
	v17 =	vor.u32 s31, v9;
	v27 =	vld.idx.msk [tilespmem:v16+s6+$0x0], $0xffff  }
0xa5: {  	v21 =	vor.u32 s30, v9;
	v16 =	vor.u32 s1, v9;
	v22 =	vld.idx.msk [tilespmem:v20+s6+$0x0], $0xffff;
	v20 =	vor.u32 s3, v9  }
0xa6: {  	v23 =	vor.u32 s28, v9;
	v24 =	vadd.f32 v28, v34;
	v34 =	vor.u32 s30, v3;
	v32 =	vld.idx.msk [tilespmem:v25+s6+$0x0], $0xffff  }
0xa7: {  	s1 =	smov.u32 s29;
	v28 =	vadd.f32 v35, v30;
	v25 =	vor.u32 s2, v9;
	v29 =	vadd.f32 v36, v29;
	v30 =	vld.idx.msk [tilespmem:v18+s6+$0x0], $0xffff  }
0xa8: {  	_ =	sdelay $0x3  }
0xa9: {  	v2 =	vld.idx.msk [tilespmem:v33+s6+$0x0], $0xffff  }
0xaa: {  	v3 =	vld.idx.msk [tilespmem:v31+s6+$0x0], $0xffff  }
0xab: {  	v7 =	vld.idx.msk [tilespmem:v34+s6+$0x0], $0xffff  }
0xac: {  	v5 =	vld.idx.msk [tilespmem:v12+s6+$0x0], $0xffff  }
0xad: {  	v9 =	vld.idx.msk [tilespmem:v10+s6+$0x0], $0xffff  }
0xae: {  	v61 =	vadd.f32 v27, v26;
	v18 =	vadd.f32 v19, v28  }
0xaf: {  	v8 =	vadd.f32 v8, v32;
	v60 =	vadd.f32 v30, v29  }
0xb0: {  	v7 =	vadd.f32 v7, v24;
	v3 =	vadd.f32 v3, v61  }
0xb1: {  	[tilespmem:v25+s20+$0x0] =	vst.idx.msk $0xffff, v18;
	v5 =	vadd.f32 v5, v8;
	v2 =	vadd.f32 v2, v60  }
0xb2: {  	v62 =	vadd.f32 v9, v11;
	[tilespmem:v21+s20+$0x0] =	vst.idx.msk $0xffff, v7;
	v3 =	vadd.f32 v4, v3  }
0xb3: {  	[tilespmem:v23+s20+$0x0] =	vst.idx.msk $0xffff, v2;
	v2 =	vadd.f32 v22, v5  }
0xb4: {  	v63 =	vadd.f32 v6, v62;
	[tilespmem:v17+s20+$0x0] =	vst.idx.msk $0xffff, v3  }
0xb5: {  	s0 =	sadd.s32 s7, s24;
	p1 =	sne.s32 s25, $0x0;
	[tilespmem:v20+s20+$0x0] =	vst.idx.msk $0xffff, v2;
	v2 =	vadd.f32 v15, v14  }
0xb6: {  	s10 =	smul.u32 @p0 $0xA000, s25;
	s0 =	sshll.u32 s0, $0x8;
	s2 =	sadd.s32 @!p1 $0x16980, s26;
	[tilespmem:v13+s20+$0x0] =	vst.idx.msk $0xffff, v63  }
.Ltmp6:
0xb7: {  	s3 =	simm.s32 @!p1 $0x0;
	s1 =	sadd.s32 @!p1 s4, s0;
	[tilespmem:v16+s20+$0x0] =	vst.idx.msk $0xffff, v2;
	(pc) =	sbr.rel .LBB2_10-.Ltmp6, $4  }
0xb8: {  	[hbm4b:s1+s3] =	stream.linear.scatter @!p1 [tilespmem:s2], [sflag:$0x3], $0x800, $0x38;
	[tilespmem:$0x1B980] =	vst v63  }
0xb9: {  	s1 =	sshrl.u32 @p0 s10, $0x2  }
0xba: {  	s0 =	sadd.s32 @p0 s4, s0;
	s2 =	simm.s32 @p0 $0x0;
	s1 =	sadd.s32 @p0 $0x16980, s1  }
0xbb: {  	[hbm4b:s0+s2] =	stream.linear.scatter @p0 [tilespmem:s1], [sflag:$0x4], $0x800, $0x38;
	[tilespmem:$0x1B980] =	vst v63  }
.LBB2_11:
0xbc: {  	_ =	swait.ge [sflag:s21], $0x800  }
0xbd: {  	[sflag:s21] =	ssyncset.done $0x0  }
0xbe: {  	[sflag:s21] =	ssyncadd.s32 $0xFFFFF800  }
0xbf: {  	_ =	swait.ge [sflag:s22], $0x800  }
0xc0: {  	[sflag:s22] =	ssyncset.done $0x0  }
0xc1: {  	s24 =	simm.s32 $0x0;
	[sflag:s22] =	ssyncadd.s32 $0xFFFFF800  }
.LBB2_12:
0xc2: {  	s25 =	sand.u32 $0x1, s24;
	p1 =	slt.u32 s24, $0x2  }
0xc3: {  	p0 =	sne.s32 @!p1 s25, $0x0  }
0xc4: {  	p2 =	por p0, p1  }
0xc5: {  	s0 =	simm.s32 @!p2 $0x3  }
0xc6: {  	p0 =	seq.s32 s25, $0x1;
	_ =	swait.ge @!p2 [sflag:s0], $0x2800  }
0xc7: {  	p1 =	por !p0, p1;
	[sflag:s0] =	ssyncset.done @!p2 $0x0  }
0xc8: {  	[sflag:s0] =	ssyncadd.s32 @!p2 $0xFFFFD800;
	s0 =	simm.s32 @!p1 $0x4  }
0xc9: {  	s26 =	smul.u32 $0x2800, s25;
	_ =	swait.ge @!p1 [sflag:s0], $0x2800  }
0xca: {  	[sflag:s0] =	ssyncset.done @!p1 $0x0  }
0xcb: {  	s28 =	smul.u32 $0x5, s24;
	s29 =	simm.s32 $0x0;
	v2 =	vmov s26;
	[sflag:s0] =	ssyncadd.s32 @!p1 $0xFFFFD800  }
.LBB2_13:
0xcc: {  	_ = 	snop  }
0xcd: {  	s0 =	sadd.s32 s28, s29  }
0xce: {  	s0 =	sshll.u32 s0, $0x4  }
0xcf: {  	v3 =	vmov s0  }
0xd0: {  	v3 =	vshll.u32 v3, $0x2  }
0xd1: {  	v3 =	vor.u32 v1, v3  }
0xd2: {  	v4 =	vor.u32 $0x1, v3  }
0xd3: {  	v5 =	vor.u32 $0x2, v3  }
0xd4: {  	v6 =	vor.u32 $0x3, v3;
	_ =	sdelay $0x1  }
0xd5: {  	v3 =	vld.idx.msk [tilespmem:v3+s14+$0x0], $0xffff  }
0xd6: {  	v4 =	vld.idx.msk [tilespmem:v4+s14+$0x0], $0xffff  }
0xd7: {  	v5 =	vld.idx.msk [tilespmem:v5+s14+$0x0], $0xffff  }
0xd8: {  	v6 =	vld.idx.msk [tilespmem:v6+s14+$0x0], $0xffff;
	_ =	sdelay $0x3  }
0xd9: {  	v3 =	vshll.u32 v3, $0xB;
	v4 =	vshll.u32 v4, $0x7  }
0xda: {  	s30 =	simm.s32 $0x0;
	v3 =	vadd.s32 v3, v4;
	v4 =	vshll.u32 v5, $0xB;
	v5 =	vshll.u32 v6, $0x7  }
0xdb: {  	s31 =	simm.s32 $0x7;
	v4 =	vadd.s32 v4, v5;
	v5 =	vor.u32 s30, v3  }
0xdc: {  	s0 =	simm.s32 $0x5;
	v8 =	vor.u32 s31, v3  }
0xdd: {  	s1 =	simm.s32 $0x4;
	v12 =	vor.u32 s0, v3  }
0xde: {  	v14 =	vor.u32 s1, v3  }
0xdf: {  	v7 =	vor.u32 s30, v4  }
0xe0: {  	s3 =	simm.s32 $0x6;
	v9 =	vor.u32 s31, v4;
	v6 =	vld.idx.msk [tilespmem:v5+s17+$0x0], $0xffff  }
0xe1: {  	v11 =	vor.u32 s3, v3;
	v8 =	vld.idx.msk [tilespmem:v8+s17+$0x0], $0xffff  }
0xe2: {  	v5 =	vor.u32 s3, v4;
	v12 =	vld.idx.msk [tilespmem:v12+s17+$0x0], $0xffff  }
0xe3: {  	s2 =	sshll.u32 s29, $0x4;
	v13 =	vor.u32 s0, v4;
	v14 =	vld.idx.msk [tilespmem:v14+s17+$0x0], $0xffff  }
0xe4: {  	v16 =	vmov s2;
	s2 =	simm.s32 $0x3;
	v15 =	vor.u32 s1, v4;
	v7 =	vld.idx.msk [tilespmem:v7+s17+$0x0], $0xffff  }
0xe5: {  	v17 =	vor.u32 s2, v3;
	v10 =	vld.idx.msk [tilespmem:v9+s17+$0x0], $0xffff  }
0xe6: {  	s11 =	simm.s32 $0x2;
	v18 =	vor.u32 s2, v4;
	v9 =	vld.idx.msk [tilespmem:v11+s17+$0x0], $0xffff  }
0xe7: {  	v20 =	vor.u32 s11, v3;
	v11 =	vld.idx.msk [tilespmem:v5+s17+$0x0], $0xffff;
	v5 =	vshll.u32 v16, $0x7  }
0xe8: {  	s12 =	simm.s32 $0x1;
	v19 =	vor.u32 s11, v4;
	v13 =	vld.idx.msk [tilespmem:v13+s17+$0x0], $0xffff;
	v5 =	vor.u32 v0, v5  }
0xe9: {  	s10 =	simm.s32 $0x8;
	v15 =	vld.idx.msk [tilespmem:v15+s17+$0x0], $0xffff;
	v16 =	vor.u32 s12, v3;
	v5 =	vadd.s32 v2, v5  }
.LBB2_14:
0xea: {  	p1 =	slt.u32 s10, $0x78;
	v21 =	vor.u32 s12, v4;
	v17 =	vld.idx.msk [tilespmem:v17+s17+$0x0], $0xffff  }
0xeb: {  	v22 =	vor.u32 s10, v3;
	v23 =	vor.u32 s30, v5;
	s30 =	smov.u32 s10;
	v18 =	vld.idx.msk [tilespmem:v18+s17+$0x0], $0xffff  }
0xec: {  	v24 =	vor.u32 s10, v4;
	v25 =	vor.u32 s31, v5;
	s31 =	sadd.s32 $0x7, s10;
	v20 =	vld.idx.msk [tilespmem:v20+s17+$0x0], $0xffff  }
0xed: {  	v27 =	vor.u32 s3, v5;
	v26 =	vor.u32 s31, v3;
	v19 =	vld.idx.msk [tilespmem:v19+s17+$0x0], $0xffff  }
0xee: {  	s3 =	sadd.s32 $0x6, s10;
	v7 =	vadd.f32 v7, v6;
	v29 =	vor.u32 s0, v5;
	v28 =	vor.u32 s31, v4;
	v16 =	vld.idx.msk [tilespmem:v16+s17+$0x0], $0xffff  }
0xef: {  	v31 =	vor.u32 s1, v5;
	v8 =	vadd.f32 v10, v8;
	v30 =	vor.u32 s3, v3;
	v21 =	vld.idx.msk [tilespmem:v21+s17+$0x0], $0xffff  }
0xf0: {  	s0 =	sadd.s32 $0x5, s10;
	v9 =	vadd.f32 v11, v9;
	v6 =	vld.idx.msk [tilespmem:v22+s17+$0x0], $0xffff;
	v22 =	vor.u32 s3, v4;
	[tilespmem:v23+s20+$0x0] =	vst.idx.msk $0xffff, v7;
	v23 =	vor.u32 s2, v5  }
0xf1: {  	v32 =	vor.u32 s11, v5;
	v11 =	vadd.f32 v13, v12;
	v7 =	vld.idx.msk [tilespmem:v24+s17+$0x0], $0xffff;
	v24 =	vor.u32 s0, v3;
	[tilespmem:v25+s20+$0x0] =	vst.idx.msk $0xffff, v8  }
0xf2: {  	s1 =	sadd.s32 $0x4, s10;
	v13 =	vor.u32 s0, v4;
	v12 =	vadd.f32 v15, v14;
	v25 =	vor.u32 s12, v5;
	v8 =	vld.idx.msk [tilespmem:v26+s17+$0x0], $0xffff;
	[tilespmem:v27+s20+$0x0] =	vst.idx.msk $0xffff, v9  }
0xf3: {  	v14 =	vor.u32 s1, v3;
	v15 =	vadd.f32 v18, v17;
	v10 =	vld.idx.msk [tilespmem:v28+s17+$0x0], $0xffff;
	[tilespmem:v29+s20+$0x0] =	vst.idx.msk $0xffff, v11  }
0xf4: {  	s2 =	sadd.s32 $0x3, s10;
	v26 =	vor.u32 s1, v4;
	v19 =	vadd.f32 v19, v20;
	v9 =	vld.idx.msk [tilespmem:v30+s17+$0x0], $0xffff;
	[tilespmem:v31+s20+$0x0] =	vst.idx.msk $0xffff, v12  }
.Ltmp7:
0xf5: {  	v17 =	vor.u32 s2, v3;
	v16 =	vadd.f32 v21, v16;
	v11 =	vld.idx.msk [tilespmem:v22+s17+$0x0], $0xffff;
	[tilespmem:v23+s20+$0x0] =	vst.idx.msk $0xffff, v15;
	(pc) =	sbr.rel @p1 .LBB2_14-.Ltmp7, $4  }
0xf6: {  	s11 =	sadd.s32 $0x2, s10;
	v18 =	vor.u32 s2, v4;
	v12 =	vld.idx.msk [tilespmem:v24+s17+$0x0], $0xffff;
	[tilespmem:v32+s20+$0x0] =	vst.idx.msk $0xffff, v19  }
0xf7: {  	v20 =	vor.u32 s11, v3;
	v13 =	vld.idx.msk [tilespmem:v13+s17+$0x0], $0xffff;
	[tilespmem:v25+s20+$0x0] =	vst.idx.msk $0xffff, v16  }
0xf8: {  	s12 =	sadd.s32 $0x1, s10;
	v19 =	vor.u32 s11, v4;
	v14 =	vld.idx.msk [tilespmem:v14+s17+$0x0], $0xffff  }
0xf9: {  	s10 =	sadd.s32 $0x8, s10;
	v16 =	vor.u32 s12, v3;
	v15 =	vld.idx.msk [tilespmem:v26+s17+$0x0], $0xffff  }
0xfa: {  	_ =	sdelay $0x3  }
0xfb: {  	v3 =	vor.u32 s12, v4;
	v55 =	vld.idx.msk [tilespmem:v17+s17+$0x0], $0xffff;
	v56 =	vor.u32 s30, v5  }
0xfc: {  	v18 =	vld.idx.msk [tilespmem:v18+s17+$0x0], $0xffff;
	v21 =	vor.u32 s31, v5  }
0xfd: {  	v20 =	vld.idx.msk [tilespmem:v20+s17+$0x0], $0xffff;
	v22 =	vor.u32 s3, v5  }
0xfe: {  	v19 =	vld.idx.msk [tilespmem:v19+s17+$0x0], $0xffff;
	v6 =	vadd.f32 v7, v6;
	v57 =	vor.u32 s0, v5  }
0xff: {  	v16 =	vld.idx.msk [tilespmem:v16+s17+$0x0], $0xffff;
	v23 =	vor.u32 s1, v5;
	v8 =	vadd.f32 v10, v8  }
0x100: {  	v58 =	vor.u32 s2, v5;
	v9 =	vadd.f32 v11, v9;
	v3 =	vld.idx.msk [tilespmem:v3+s17+$0x0], $0xffff;
	[tilespmem:v56+s20+$0x0] =	vst.idx.msk $0xffff, v6  }
0x101: {  	v59 =	vor.u32 s11, v5;
	s29 =	sadd.s32 $0x1, s29;
	v60 =	vadd.f32 v13, v12;
	[tilespmem:v21+s20+$0x0] =	vst.idx.msk $0xffff, v8  }
0x102: {  	v61 =	vor.u32 s12, v5;
	p1 =	sne.s32 s29, $0x5;
	v62 =	vadd.f32 v15, v14;
	[tilespmem:v22+s20+$0x0] =	vst.idx.msk $0xffff, v9  }
.Ltmp8:
0x103: {  	v4 =	vadd.f32 v18, v55;
	[tilespmem:v57+s20+$0x0] =	vst.idx.msk $0xffff, v60;
	(pc) =	sbr.rel @p1 .LBB2_13-.Ltmp8, $4  }
0x104: {  	v63 =	vadd.f32 v19, v20;
	[tilespmem:v23+s20+$0x0] =	vst.idx.msk $0xffff, v62  }
0x105: {  	[tilespmem:v58+s20+$0x0] =	vst.idx.msk $0xffff, v4;
	v3 =	vadd.f32 v3, v16  }
0x106: {  	[tilespmem:v59+s20+$0x0] =	vst.idx.msk $0xffff, v63  }
0x107: {  	[tilespmem:v61+s20+$0x0] =	vst.idx.msk $0xffff, v3  }
0x108: {  	s0 =	smul.u32 $0x50, s24;
	_ =	sdelay $0x1  }
0x109: {  	p1 =	sne.s32 s25, $0x0;
	s0 =	sadd.s32 s8, s0  }
0x10a: {  	s10 =	smul.u32 @p0 $0xA000, s25;
	s1 =	sshll.u32 @!p1 s0, $0x4  }
0x10b: {  	s2 =	sadd.s32 @!p1 $0x16980, s26;
	s3 =	simm.s32 @!p1 $0x0;
	s1 =	sadd.s32 @!p1 s5, s1  }
0x10c: {  	[hbm4b:s1+s3] =	stream.linear.scatter @!p1 [tilespmem:s2], [sflag:$0x3], $0x2800, $0x38;
	[tilespmem:$0x1B980] =	vst v63  }
0x10d: {  	s24 =	sadd.s32 $0x1, s24;
	s0 =	sshll.u32 @p0 s0, $0x4;
	s1 =	sshrl.u32 @p0 s10, $0x2  }
0x10e: {  	s0 =	sadd.s32 @p0 s5, s0;
	s2 =	simm.s32 @p0 $0x0;
	s1 =	sadd.s32 @p0 $0x16980, s1  }
0x10f: {  	[hbm4b:s0+s2] =	stream.linear.scatter @p0 [tilespmem:s1], [sflag:$0x4], $0x2800, $0x38;
	[tilespmem:$0x1B980] =	vst v63  }
0x110: {  	p0 =	sne.s32 s24, $0x7D  }
.Ltmp9:
0x111: {  	_ = 	snop;
	(pc) =	sbr.rel @p0 .LBB2_12-.Ltmp9, $1  }
0x112: {  	_ =	sdelay $0x3  }
0x113: {  	_ =	swait.ge [sflag:s21], $0x2800  }
0x114: {  	[sflag:s21] =	ssyncset.done $0x0  }
0x115: {  	[sflag:s21] =	ssyncadd.s32 $0xFFFFD800  }
0x116: {  	_ =	swait.ge [sflag:s22], $0x2800  }
0x117: {  	s23 =	sadd.s32 $0x1, s23;
	s0 =	rddreg [dreg:$0x8]  }
0x118: {  	p0 =	sne.s32 s23, s0  }
.Ltmp10:
0x119: {  	_ = 	snop;
	(pc) =	sbr.rel @p0 .LBB2_1-.Ltmp10, $3  }
0x11a: {  	_ =	sdelay $0x1  }
0x11b: {  	[sflag:s22] =	ssyncset.done $0x0  }
0x11c: {  	[sflag:s22] =	ssyncadd.s32 $0xFFFFD800  }
0x11d: {  	_ =	sfence.sel $0x180000  }
0x11e: {  	[bflag:$0x0] =	sbarrier.arrive $0xFFFF  }
0x11f: {  	_ =	strace $0x90000047  }
0x120: {  	s0 =	stileid.u32;
	[bflag:$0x2] =	sbarrier.arrive $0xFFFF  }
0x121: {  	p0 =	sne.s32 s0, $0x0;
	s0 =	rddreg [dreg:$0x5]  }
0x122: {  	s0 =	sadd.s32 @!p0 $0x100000, s0  }
0x123: {  	[sflag:s0] =	ssyncadd.tile.s32 @!p0 $0x1;
	_ =	shalt  }
.Lfunc_end2:
_tile_overlayer_lowered:
.L_overlay_start_2:
0x124: {  	(tag) =	ssettag $0x2  }
0x125: {  	s0 =	rddreg [dreg:$0x0];
	s2 =	stileid.u32  }
0x126: {  	s1 =	rddreg [dreg:$0x1];
	p0 =	sne.s32 s2, $0x0  }
0x127: {  	s3 =	rddreg [dreg:$0x2];
	[bflag:$0x3] =	sbarrier.arrive $0xFFFF;
	s2 =	simm.s32 @!p0 $0x1C05  }
0x128: {  	[timem:s3], [sflag:s2] =	dma.local @!p0 [hbm:s0], s1  }
0x129: {  	s0 =	simm.s32 @!p0 $0x5  }
0x12a: {  	_ =	swait.ge @!p0 [sflag:s0], s1  }
0x12b: {  	s1 =	ssub.s32 @!p0 $0x0, s1;
	[sflag:s0] =	ssyncset.done @!p0 $0x0  }
0x12c: {  	[sflag:s0] =	ssyncadd.s32 @!p0 s1  }
0x12d: {  	[bflag:$0x3] =	sbarrier.arrive $0xFFFF  }
0x12e: {  	_ =	shalt  }

</sc_bundles>
